<compile_context>
chip_gen: v7x
topology: tpu7x:2x2x1
jax: 0.10.2.dev20260603
libtpu: 0.0.44.dev20260713+nightly
codegen_flags: <defaults>
</compile_context>

<pallas_src>
import functools

import jax
import jax.numpy as jnp
from jax import lax
from jax.experimental import pallas as pl
from jax.experimental.pallas import tpu as pltpu
from jax.experimental.pallas import tpu_sc as plsc



def _pack_pair(lo_f32, hi_f32):
    lo_u = lax.bitcast_convert_type(
        lo_f32.astype(jnp.bfloat16).astype(jnp.float32), jnp.uint32)
    hi_u = lax.bitcast_convert_type(
        hi_f32.astype(jnp.bfloat16).astype(jnp.float32), jnp.uint32)
    packed = (lo_u >> 16) | (hi_u & jnp.uint32(0xFFFF0000))
    return lax.bitcast_convert_type(packed, jnp.float32)


def _unpack_pair(packed_f32):
    u = lax.bitcast_convert_type(packed_f32, jnp.uint32)
    lo = lax.bitcast_convert_type(u << 16, jnp.float32)
    hi = lax.bitcast_convert_type(u & jnp.uint32(0xFFFF0000), jnp.float32)
    return lo, hi


def _proj_body(nodes_ref, w_ref, g_ref, w1g_ref, b1_ref, out_ref, b1e_ref):
    p = jnp.dot(nodes_ref[...], w_ref[...],
                preferred_element_type=jnp.float32)
    h2 = p.shape[1]
    q = h2 // 4
    pack_s = _pack_pair(p[:, 0 * q:1 * q], p[:, 1 * q:2 * q])
    pack_r = _pack_pair(p[:, 2 * q:3 * q], p[:, 3 * q:4 * q])
    out_ref[...] = jnp.concatenate([pack_s, pack_r], axis=1)
    b1e_ref[...] = b1_ref[...] + jnp.dot(
        g_ref[...], w1g_ref[...], preferred_element_type=jnp.float32)


def _project_nodes(nodes, w_sr, g2d, w1g, b1r):
    n, d = nodes.shape
    two_h = w_sr.shape[1]
    h = two_h // 2
    bn = 2000
    grid = (n // bn,)
    return pl.pallas_call(
        _proj_body,
        grid=grid,
        in_specs=[
            pl.BlockSpec((bn, d), lambda i: (i, 0)),
            pl.BlockSpec((d, two_h), lambda i: (0, 0)),
            pl.BlockSpec(g2d.shape, lambda i: (0, 0)),
            pl.BlockSpec(w1g.shape, lambda i: (0, 0)),
            pl.BlockSpec(b1r.shape, lambda i: (0, 0)),
        ],
        out_specs=[
            pl.BlockSpec((bn, two_h // 2), lambda i: (i, 0)),
            pl.BlockSpec((1, h), lambda i: (0, 0)),
        ],
        out_shape=[
            jax.ShapeDtypeStruct((n, two_h // 2), jnp.float32),
            jax.ShapeDtypeStruct((1, h), jnp.float32),
        ],
    )(nodes, w_sr, g2d, w1g, b1r)



_CH = 128
_NB = 3
_LA = 2


def _sc_gather(table, idx, h):
    info = plsc.get_sparse_core_info()
    nc, ns = info.num_cores, info.num_subcores
    nw = nc * ns
    total_rows = idx.shape[0]
    rows_per_w = total_rows // nw
    n_ch = rows_per_w // _CH
    rem = rows_per_w - n_ch * _CH
    n_outer = (n_ch + _NB - 1) // _NB
    dt = table.dtype
    mesh = plsc.VectorSubcoreMesh(core_axis_name="c", subcore_axis_name="s")

    @functools.partial(
        pl.kernel,
        mesh=mesh,
        out_type=jax.ShapeDtypeStruct((total_rows, h), dt),
        scratch_types=[
            pltpu.VMEM((rows_per_w,), jnp.int32),
        ] + [pltpu.VMEM((_CH, h), dt)] * _NB
          + [pltpu.SemaphoreType.DMA] * (2 * _NB),
    )
    def k(table_hbm, idx_hbm, out_hbm, idx_v, *bufsems):
        rows = bufsems[:_NB]
        gsem = bufsems[_NB:2 * _NB]
        osem = bufsems[2 * _NB:]
        wid = lax.axis_index("s") * nc + lax.axis_index("c")
        rbase = wid * rows_per_w
        pltpu.sync_copy(idx_hbm.at[pl.ds(rbase, rows_per_w)], idx_v)

        def gstart(c, b):
            pltpu.async_copy(table_hbm.at[idx_v.at[pl.ds(c * _CH, _CH)]],
                             rows[b], gsem[b])

        def ostart(c, b):
            pltpu.async_copy(rows[b],
                             out_hbm.at[pl.ds(rbase + c * _CH, _CH)],
                             osem[b])

        def owait(b):
            pltpu.make_async_copy(rows[b],
                                  out_hbm.at[pl.ds(rbase, _CH)],
                                  osem[b]).wait()

        def gwait(b):
            pltpu.make_async_copy(table_hbm.at[idx_v.at[pl.ds(0, _CH)]],
                                  rows[b], gsem[b]).wait()

        for p in range(_LA):
            gstart(p, p)

        def outer(s, carry):
            for b in range(_NB):
                c = s * _NB + b

                @pl.when(c < n_ch)
                def _(c=c, b=b):
                    gwait(b)
                    j = c + _LA
                    bj = (b + _LA) % _NB

                    @pl.when(j < n_ch)
                    def _(j=j, bj=bj):
                        @pl.when(j >= _NB)
                        def _():
                            owait(bj)
                        gstart(j, bj)

                    ostart(c, b)
            return carry

        lax.fori_loop(0, n_outer, outer, 0)
        if rem:
            bt = n_ch % _NB
            if n_ch >= _NB:
                owait(bt)
            toff = n_ch * _CH
            pltpu.async_copy(table_hbm.at[idx_v.at[pl.ds(toff, rem)]],
                             rows[bt].at[pl.ds(0, rem)], gsem[bt])
            pltpu.make_async_copy(
                table_hbm.at[idx_v.at[pl.ds(toff, rem)]],
                rows[bt].at[pl.ds(0, rem)], gsem[bt]).wait()
            pltpu.async_copy(rows[bt].at[pl.ds(0, rem)],
                             out_hbm.at[pl.ds(rbase + toff, rem)], osem[bt])
        for t in range(min(_NB - (1 if rem else 0), n_ch)):
            owait((n_ch - 1 - t) % _NB)
        if rem:
            pltpu.make_async_copy(
                rows[n_ch % _NB].at[pl.ds(0, rem)],
                out_hbm.at[pl.ds(rbase, rem)], osem[n_ch % _NB]).wait()

    return k(table, idx)



def _mlp_body(buf_ref, sg_ref, rg_ref, ea_ref, w1e_ref, b1e_ref, w2_ref,
              b2_ref, out_ref):
    del buf_ref
    s_lo, s_hi = _unpack_pair(sg_ref[...])
    r_lo, r_hi = _unpack_pair(rg_ref[...])
    t = jnp.dot(ea_ref[...], w1e_ref[...],
                preferred_element_type=jnp.float32) + b1e_ref[...]
    hh = t.shape[1] // 2
    h_lo = jnp.maximum(s_lo + r_lo + t[:, :hh], 0.0)
    h_hi = jnp.maximum(s_hi + r_hi + t[:, hh:], 0.0)
    out_ref[...] = (jnp.dot(h_lo, w2_ref[:hh, :],
                            preferred_element_type=jnp.float32) +
                    jnp.dot(h_hi, w2_ref[hh:, :],
                            preferred_element_type=jnp.float32) +
                    b2_ref[...])


def _edge_mlp_slab(out_buf, gathered, ea, w1e, b1e, w2, b2, blk0, e_total):
    es, de = ea.shape
    h = w2.shape[0]
    dout = w2.shape[1]
    be = 1600
    nblk = es // be
    data_specs = [
        pl.BlockSpec((be, h // 2), lambda i: (i, 0)),
        pl.BlockSpec((be, h // 2), lambda i: (i + nblk, 0)),
        pl.BlockSpec((be, de), lambda i: (i, 0)),
        pl.BlockSpec(w1e.shape, lambda i: (0, 0)),
        pl.BlockSpec(b1e.shape, lambda i: (0, 0)),
        pl.BlockSpec(w2.shape, lambda i: (0, 0)),
        pl.BlockSpec(b2.shape, lambda i: (0, 0)),
    ]
    if out_buf is None:
        body = functools.partial(_mlp_body, None)
        in_specs = data_specs
        operands = (gathered, gathered, ea, w1e, b1e, w2, b2)
        aliases = {}
    else:
        body = _mlp_body
        in_specs = [pl.BlockSpec(memory_space=pltpu.MemorySpace.HBM)]
        in_specs += data_specs
        operands = (out_buf, gathered, gathered, ea, w1e, b1e, w2, b2)
        aliases = {0: 0}
    return pl.pallas_call(
        body,
        grid=(nblk,),
        in_specs=in_specs,
        out_specs=pl.BlockSpec((be, dout), lambda i: (i + blk0, 0)),
        out_shape=jax.ShapeDtypeStruct((e_total, dout), jnp.float32),
        input_output_aliases=aliases,
    )(*operands)



def kernel(node_attributes, edge_index, edge_attributes, global_attributes,
           W1, b1, W2, b2):
    n, d = node_attributes.shape
    e, de = edge_attributes.shape
    dg = global_attributes.shape[0]
    h = W1.shape[1]

    w1e = W1[:de]
    w_sr = jnp.concatenate([W1[de:de + d], W1[de + d:de + 2 * d]], axis=1)
    w1g = W1[de + 2 * d:]

    g2d = global_attributes.reshape(1, dg)
    b1r = b1.reshape(1, h)

    proj, b1e = _project_nodes(node_attributes, w_sr, g2d, w1g, b1r)
    proj = proj.reshape(2 * n, h // 2)

    nslab = 1
    es = e // nslab
    src2 = 2 * edge_index[0]
    dst2 = 2 * edge_index[1] + 1
    b2r = b2.reshape(1, -1)
    blocks_per_slab = es // 1600
    out = None
    for k in range(nslab):
        idx_k = jnp.concatenate([lax.dynamic_slice_in_dim(src2, k * es, es),
                                 lax.dynamic_slice_in_dim(dst2, k * es, es)])
        gathered = _sc_gather(proj, idx_k, h // 2)
        out = _edge_mlp_slab(out, gathered,
                             lax.dynamic_slice_in_dim(edge_attributes,
                                                      k * es, es),
                             w1e, b1e, W2, b2r,
                             k * blocks_per_slab, e)
    return out

# --- scband reference (transcript-rebuilt; emitter-appended) ---
"""Pipeline reference for scband-edge-block-24807731101811 (READ-ONLY COPY).

The authoritative reference and input builder live on the scoring server;
editing this copy changes nothing except your own understanding.
"""

import jax, jax.numpy as jnp
import numpy as np

N = 10000
E = 160000
D = 256
DE = 16
DG = 128
H = 512
DOUT = 256


def setup_inputs(seed: int = 0) -> dict:
    key = jax.random.key(seed)
    ks = jax.random.split(key, 6)
    node_attributes = jax.random.normal(ks[0], (N, D), dtype=jnp.float32)
    edge_index = jax.random.randint(ks[1], (2, E), 0, N, dtype=jnp.int32)
    edge_attributes = jax.random.normal(ks[2], (E, DE), dtype=jnp.float32)
    global_attributes = jax.random.normal(ks[3], (DG,), dtype=jnp.float32)
    DIN = DE + 2 * D + DG
    W1 = jax.random.normal(ks[4], (DIN, H), dtype=jnp.float32) * (1.0 / np.sqrt(DIN))
    b1 = jnp.zeros((H,), dtype=jnp.float32)
    W2 = jax.random.normal(ks[5], (H, DOUT), dtype=jnp.float32) * (1.0 / np.sqrt(H))
    b2 = jnp.zeros((DOUT,), dtype=jnp.float32)
    return {
        "node_attributes": node_attributes,
        "edge_index": edge_index,
        "edge_attributes": edge_attributes,
        "global_attributes": global_attributes,
        "W1": W1,
        "b1": b1,
        "W2": W2,
        "b2": b2,
    }


def reference(node_attributes, edge_index, edge_attributes, global_attributes, W1, b1, W2, b2):
    # EdgeBlock: gather sender/receiver node attrs per edge, broadcast globals,
    # concat with edge attrs, and run the edge_attribute_update_function (MLP).
    sender_node_attributes = jnp.take(node_attributes, edge_index[0], axis=0)
    receiver_node_attributes = jnp.take(node_attributes, edge_index[1], axis=0)
    num_edges = edge_attributes.shape[0]
    g = jnp.broadcast_to(global_attributes[None, :], (num_edges, global_attributes.shape[0]))
    inp = jnp.concatenate([edge_attributes, sender_node_attributes, receiver_node_attributes, g], axis=-1)
    h = jax.nn.relu(inp @ W1 + b1)
    new_edge_attributes = h @ W2 + b2
    return new_edge_attributes

if __name__ == "__main__":
    import jax
    _d = setup_inputs()
    print(jax.jit(kernel)(*tuple(_d.values())))

</pallas_src>

<mosaic_0001>
#map = affine_map<(d0, d1) -> (0, 0)>
#map1 = affine_map<(d0, d1) -> (0)>
module attributes {stable_mosaic.version = 14 : i64} {
  func.func @k(%arg0: i32, %arg1: i32, %arg2: memref<20000x256xf32, #tpu.memory_space<hbm>>, %arg3: memref<320000xi32, #tpu.memory_space<hbm>>, %arg4: memref<320000x256xf32, #tpu.memory_space<hbm>>, %arg5: memref<10000xi32, #tpu.memory_space<vmem>>, %arg6: memref<128x256xf32, #tpu.memory_space<vmem>>, %arg7: memref<128x256xf32, #tpu.memory_space<vmem>>, %arg8: memref<128x256xf32, #tpu.memory_space<vmem>>, %arg9: memref<!tpu.dma_semaphore, #tpu.memory_space<semaphore_mem>>, %arg10: memref<!tpu.dma_semaphore, #tpu.memory_space<semaphore_mem>>, %arg11: memref<!tpu.dma_semaphore, #tpu.memory_space<semaphore_mem>>, %arg12: memref<!tpu.dma_semaphore, #tpu.memory_space<semaphore_mem>>, %arg13: memref<!tpu.dma_semaphore, #tpu.memory_space<semaphore_mem>>, %arg14: memref<!tpu.dma_semaphore, #tpu.memory_space<semaphore_mem>>) attributes {dimension_semantics = [#tpu.dimension_semantics<core_parallel>, #tpu.dimension_semantics<subcore_parallel>], iteration_bounds = array<i64: 2, 16>, scalar_prefetch = 0 : i64, scratch_operands = 10 : i64, tpu.core_type = #tpu.core_type<sc_vector_subcore>, window_params = [{transform_indices = #map}, {transform_indices = #map1}, {transform_indices = #map}]} {
    %mul3A = arith.constant 2 : i32
    %mul3A_0 = arith.muli %arg1, %mul3A : i32
    %add3A = arith.addi %mul3A_0, %arg0 : i32
    %mul3A_1 = arith.constant 10000 : i32
    %mul3A_2 = arith.muli %add3A, %mul3A_1 : i32
    "tpu.region"() ({
      %run_scoped3A = tpu.sem_alloc : memref<!tpu.dma_semaphore, #tpu.memory_space<semaphore_mem>>
      %dma_start3A_66 = tpu.memref_slice %arg3[%mul3A_2] : memref<320000xi32, #tpu.memory_space<hbm>> -> memref<10000xi32, #tpu.memory_space<hbm>>
      %dma_start3A_67 = tpu.memref_slice %arg3[%mul3A_2] : memref<320000xi32, #tpu.memory_space<hbm>> -> memref<10000xi32, #tpu.memory_space<hbm>>
      tpu.enqueue_dma source(%dma_start3A_67 : memref<10000xi32, #tpu.memory_space<hbm>>) target(%arg5 : memref<10000xi32, #tpu.memory_space<vmem>>) target_semaphore(%run_scoped3A : memref<!tpu.dma_semaphore, #tpu.memory_space<semaphore_mem>>)
      %dma_wait3A_68 = tpu.memref_slice %arg3[%mul3A_2] : memref<320000xi32, #tpu.memory_space<hbm>> -> memref<10000xi32, #tpu.memory_space<hbm>>
      %dma_wait3A_69 = tpu.memref_slice %arg3[%mul3A_2] : memref<320000xi32, #tpu.memory_space<hbm>> -> memref<10000xi32, #tpu.memory_space<hbm>>
      tpu.wait_dma2 semaphore(%run_scoped3A : memref<!tpu.dma_semaphore, #tpu.memory_space<semaphore_mem>>) src(%dma_wait3A_69 : memref<10000xi32, #tpu.memory_space<hbm>>) dst(%arg5 : memref<10000xi32, #tpu.memory_space<vmem>>)
      tpu.yield
    }) : () -> ()
    %dma_start3A = arith.constant 0 : i32
    %dma_start3A_3 = tpu.memref_slice %arg5[%dma_start3A] : memref<10000xi32, #tpu.memory_space<vmem>> -> memref<128xi32, #tpu.memory_space<vmem>>
    %dma_start3A_4 = arith.constant 0 : i32
    %dma_start3A_5 = arith.constant 0 : i32
    %dma_start3A_6 = tpu.memref_slice %arg2[%dma_start3A_4, %dma_start3A_5] : memref<20000x256xf32, #tpu.memory_space<hbm>> -> memref<20000x256xf32, #tpu.memory_space<hbm>>
    tpu.enqueue_indirect_dma source(%dma_start3A_6 : memref<20000x256xf32, #tpu.memory_space<hbm>>) target(%arg6 : memref<128x256xf32, #tpu.memory_space<vmem>>) offsets(%dma_start3A_3 : memref<128xi32, #tpu.memory_space<vmem>>) semaphore(%arg9 : memref<!tpu.dma_semaphore, #tpu.memory_space<semaphore_mem>>)
    %dma_start3A_7 = arith.constant 128 : i32
    %dma_start3A_8 = tpu.memref_slice %arg5[%dma_start3A_7] : memref<10000xi32, #tpu.memory_space<vmem>> -> memref<128xi32, #tpu.memory_space<vmem>>
    %dma_start3A_9 = arith.constant 0 : i32
    %dma_start3A_10 = arith.constant 0 : i32
    %dma_start3A_11 = tpu.memref_slice %arg2[%dma_start3A_9, %dma_start3A_10] : memref<20000x256xf32, #tpu.memory_space<hbm>> -> memref<20000x256xf32, #tpu.memory_space<hbm>>
    tpu.enqueue_indirect_dma source(%dma_start3A_11 : memref<20000x256xf32, #tpu.memory_space<hbm>>) target(%arg7 : memref<128x256xf32, #tpu.memory_space<vmem>>) offsets(%dma_start3A_8 : memref<128xi32, #tpu.memory_space<vmem>>) semaphore(%arg10 : memref<!tpu.dma_semaphore, #tpu.memory_space<semaphore_mem>>)
    %scan3A = arith.constant 0 : i32
    %scan3A_12 = arith.constant 0 : i32
    %scan3A_13 = arith.constant 26 : i32
    %scan3A_14 = arith.addi %scan3A_12, %scan3A_13 : i32
    %scan3A_15 = arith.constant 1 : i32
    scf.for %scan3A_66 = %scan3A_12 to %scan3A_14 step %scan3A_15  : i32 {
      %mul3A_67 = arith.constant 3 : i32
      %mul3A_68 = arith.muli %scan3A_66, %mul3A_67 : i32
      %add3A_69 = arith.constant 0 : i32
      %add3A_70 = arith.addi %mul3A_68, %add3A_69 : i32
      %lt3A = arith.constant 78 : i32
      %lt3A_71 = arith.cmpi slt, %add3A_70, %lt3A : i32
      %convert_element_type3A = arith.extui %lt3A_71 : i1 to i32
      %cond3A = arith.constant 0 : i32
      %cond3A_72 = arith.cmpi ne, %convert_element_type3A, %cond3A : i32
      scf.if %cond3A_72 {
        %dma_wait3A_91 = arith.constant 0 : i32
        %dma_wait3A_92 = tpu.memref_slice %arg5[%dma_wait3A_91] : memref<10000xi32, #tpu.memory_space<vmem>> -> memref<128xi32, #tpu.memory_space<vmem>>
        %dma_wait3A_93 = arith.constant 0 : i32
        %dma_wait3A_94 = arith.constant 0 : i32
        %dma_wait3A_95 = tpu.memref_slice %arg2[%dma_wait3A_93, %dma_wait3A_94] : memref<20000x256xf32, #tpu.memory_space<hbm>> -> memref<20000x256xf32, #tpu.memory_space<hbm>>
        tpu.wait_indirect_dma semaphore(%arg9 : memref<!tpu.dma_semaphore, #tpu.memory_space<semaphore_mem>>) src(%dma_wait3A_95 : memref<20000x256xf32, #tpu.memory_space<hbm>>) dst(%arg6 : memref<128x256xf32, #tpu.memory_space<vmem>>)
        %add3A_96 = arith.constant 2 : i32
        %add3A_97 = arith.addi %add3A_70, %add3A_96 : i32
        %lt3A_98 = arith.constant 78 : i32
        %lt3A_99 = arith.cmpi slt, %add3A_97, %lt3A_98 : i32
        %convert_element_type3A_100 = arith.extui %lt3A_99 : i1 to i32
        %cond3A_101 = arith.constant 0 : i32
        %cond3A_102 = arith.cmpi ne, %convert_element_type3A_100, %cond3A_101 : i32
        scf.if %cond3A_102 {
          %ge3A = arith.constant 3 : i32
          %ge3A_110 = arith.cmpi sge, %add3A_97, %ge3A : i32
          %convert_element_type3A_111 = arith.extui %ge3A_110 : i1 to i32
          %cond3A_112 = arith.constant 0 : i32
          %cond3A_113 = arith.cmpi ne, %convert_element_type3A_111, %cond3A_112 : i32
          scf.if %cond3A_113 {
            %dma_wait3A_120 = arith.constant 0 : i32
            %dma_wait3A_121 = tpu.memref_slice %arg4[%mul3A_2, %dma_wait3A_120] : memref<320000x256xf32, #tpu.memory_space<hbm>> -> memref<128x256xf32, #tpu.memory_space<hbm>>
            %dma_wait3A_122 = arith.constant 0 : i32
            %dma_wait3A_123 = tpu.memref_slice %arg4[%mul3A_2, %dma_wait3A_122] : memref<320000x256xf32, #tpu.memory_space<hbm>> -> memref<128x256xf32, #tpu.memory_space<hbm>>
            tpu.wait_dma2 semaphore(%arg14 : memref<!tpu.dma_semaphore, #tpu.memory_space<semaphore_mem>>) src(%arg8 : memref<128x256xf32, #tpu.memory_space<vmem>>) dst(%dma_wait3A_123 : memref<128x256xf32, #tpu.memory_space<hbm>>)
          } else {
          }
          %mul3A_114 = arith.constant 128 : i32
          %mul3A_115 = arith.muli %add3A_97, %mul3A_114 : i32
          %dma_start3A_116 = tpu.memref_slice %arg5[%mul3A_115] : memref<10000xi32, #tpu.memory_space<vmem>> -> memref<128xi32, #tpu.memory_space<vmem>>
          %dma_start3A_117 = arith.constant 0 : i32
          %dma_start3A_118 = arith.constant 0 : i32
          %dma_start3A_119 = tpu.memref_slice %arg2[%dma_start3A_117, %dma_start3A_118] : memref<20000x256xf32, #tpu.memory_space<hbm>> -> memref<20000x256xf32, #tpu.memory_space<hbm>>
          tpu.enqueue_indirect_dma source(%dma_start3A_119 : memref<20000x256xf32, #tpu.memory_space<hbm>>) target(%arg8 : memref<128x256xf32, #tpu.memory_space<vmem>>) offsets(%dma_start3A_116 : memref<128xi32, #tpu.memory_space<vmem>>) semaphore(%arg11 : memref<!tpu.dma_semaphore, #tpu.memory_space<semaphore_mem>>)
        } else {
        }
        %mul3A_103 = arith.constant 128 : i32
        %mul3A_104 = arith.muli %add3A_70, %mul3A_103 : i32
        %add3A_105 = arith.addi %mul3A_2, %mul3A_104 : i32
        %dma_start3A_106 = arith.constant 0 : i32
        %dma_start3A_107 = tpu.memref_slice %arg4[%add3A_105, %dma_start3A_106] : memref<320000x256xf32, #tpu.memory_space<hbm>> -> memref<128x256xf32, #tpu.memory_space<hbm>>
        %dma_start3A_108 = arith.constant 0 : i32
        %dma_start3A_109 = tpu.memref_slice %arg4[%add3A_105, %dma_start3A_108] : memref<320000x256xf32, #tpu.memory_space<hbm>> -> memref<128x256xf32, #tpu.memory_space<hbm>>
        tpu.enqueue_dma source(%arg6 : memref<128x256xf32, #tpu.memory_space<vmem>>) target(%dma_start3A_109 : memref<128x256xf32, #tpu.memory_space<hbm>>) target_semaphore(%arg12 : memref<!tpu.dma_semaphore, #tpu.memory_space<semaphore_mem>>)
      } else {
      }
      %mul3A_73 = arith.constant 3 : i32
      %mul3A_74 = arith.muli %scan3A_66, %mul3A_73 : i32
      %add3A_75 = arith.constant 1 : i32
      %add3A_76 = arith.addi %mul3A_74, %add3A_75 : i32
      %lt3A_77 = arith.constant 78 : i32
      %lt3A_78 = arith.cmpi slt, %add3A_76, %lt3A_77 : i32
      %convert_element_type3A_79 = arith.extui %lt3A_78 : i1 to i32
      %cond3A_80 = arith.constant 0 : i32
      %cond3A_81 = arith.cmpi ne, %convert_element_type3A_79, %cond3A_80 : i32
      scf.if %cond3A_81 {
        %dma_wait3A_91 = arith.constant 0 : i32
        %dma_wait3A_92 = tpu.memref_slice %arg5[%dma_wait3A_91] : memref<10000xi32, #tpu.memory_space<vmem>> -> memref<128xi32, #tpu.memory_space<vmem>>
        %dma_wait3A_93 = arith.constant 0 : i32
        %dma_wait3A_94 = arith.constant 0 : i32
        %dma_wait3A_95 = tpu.memref_slice %arg2[%dma_wait3A_93, %dma_wait3A_94] : memref<20000x256xf32, #tpu.memory_space<hbm>> -> memref<20000x256xf32, #tpu.memory_space<hbm>>
        tpu.wait_indirect_dma semaphore(%arg10 : memref<!tpu.dma_semaphore, #tpu.memory_space<semaphore_mem>>) src(%dma_wait3A_95 : memref<20000x256xf32, #tpu.memory_space<hbm>>) dst(%arg7 : memref<128x256xf32, #tpu.memory_space<vmem>>)
        %add3A_96 = arith.constant 2 : i32
        %add3A_97 = arith.addi %add3A_76, %add3A_96 : i32
        %lt3A_98 = arith.constant 78 : i32
        %lt3A_99 = arith.cmpi slt, %add3A_97, %lt3A_98 : i32
        %convert_element_type3A_100 = arith.extui %lt3A_99 : i1 to i32
        %cond3A_101 = arith.constant 0 : i32
        %cond3A_102 = arith.cmpi ne, %convert_element_type3A_100, %cond3A_101 : i32
        scf.if %cond3A_102 {
          %ge3A = arith.constant 3 : i32
          %ge3A_110 = arith.cmpi sge, %add3A_97, %ge3A : i32
          %convert_element_type3A_111 = arith.extui %ge3A_110 : i1 to i32
          %cond3A_112 = arith.constant 0 : i32
          %cond3A_113 = arith.cmpi ne, %convert_element_type3A_111, %cond3A_112 : i32
          scf.if %cond3A_113 {
            %dma_wait3A_120 = arith.constant 0 : i32
            %dma_wait3A_121 = tpu.memref_slice %arg4[%mul3A_2, %dma_wait3A_120] : memref<320000x256xf32, #tpu.memory_space<hbm>> -> memref<128x256xf32, #tpu.memory_space<hbm>>
            %dma_wait3A_122 = arith.constant 0 : i32
            %dma_wait3A_123 = tpu.memref_slice %arg4[%mul3A_2, %dma_wait3A_122] : memref<320000x256xf32, #tpu.memory_space<hbm>> -> memref<128x256xf32, #tpu.memory_space<hbm>>
            tpu.wait_dma2 semaphore(%arg12 : memref<!tpu.dma_semaphore, #tpu.memory_space<semaphore_mem>>) src(%arg6 : memref<128x256xf32, #tpu.memory_space<vmem>>) dst(%dma_wait3A_123 : memref<128x256xf32, #tpu.memory_space<hbm>>)
          } else {
          }
          %mul3A_114 = arith.constant 128 : i32
          %mul3A_115 = arith.muli %add3A_97, %mul3A_114 : i32
          %dma_start3A_116 = tpu.memref_slice %arg5[%mul3A_115] : memref<10000xi32, #tpu.memory_space<vmem>> -> memref<128xi32, #tpu.memory_space<vmem>>
          %dma_start3A_117 = arith.constant 0 : i32
          %dma_start3A_118 = arith.constant 0 : i32
          %dma_start3A_119 = tpu.memref_slice %arg2[%dma_start3A_117, %dma_start3A_118] : memref<20000x256xf32, #tpu.memory_space<hbm>> -> memref<20000x256xf32, #tpu.memory_space<hbm>>
          tpu.enqueue_indirect_dma source(%dma_start3A_119 : memref<20000x256xf32, #tpu.memory_space<hbm>>) target(%arg6 : memref<128x256xf32, #tpu.memory_space<vmem>>) offsets(%dma_start3A_116 : memref<128xi32, #tpu.memory_space<vmem>>) semaphore(%arg9 : memref<!tpu.dma_semaphore, #tpu.memory_space<semaphore_mem>>)
        } else {
        }
        %mul3A_103 = arith.constant 128 : i32
        %mul3A_104 = arith.muli %add3A_76, %mul3A_103 : i32
        %add3A_105 = arith.addi %mul3A_2, %mul3A_104 : i32
        %dma_start3A_106 = arith.constant 0 : i32
        %dma_start3A_107 = tpu.memref_slice %arg4[%add3A_105, %dma_start3A_106] : memref<320000x256xf32, #tpu.memory_space<hbm>> -> memref<128x256xf32, #tpu.memory_space<hbm>>
        %dma_start3A_108 = arith.constant 0 : i32
        %dma_start3A_109 = tpu.memref_slice %arg4[%add3A_105, %dma_start3A_108] : memref<320000x256xf32, #tpu.memory_space<hbm>> -> memref<128x256xf32, #tpu.memory_space<hbm>>
        tpu.enqueue_dma source(%arg7 : memref<128x256xf32, #tpu.memory_space<vmem>>) target(%dma_start3A_109 : memref<128x256xf32, #tpu.memory_space<hbm>>) target_semaphore(%arg13 : memref<!tpu.dma_semaphore, #tpu.memory_space<semaphore_mem>>)
      } else {
      }
      %mul3A_82 = arith.constant 3 : i32
      %mul3A_83 = arith.muli %scan3A_66, %mul3A_82 : i32
      %add3A_84 = arith.constant 2 : i32
      %add3A_85 = arith.addi %mul3A_83, %add3A_84 : i32
      %lt3A_86 = arith.constant 78 : i32
      %lt3A_87 = arith.cmpi slt, %add3A_85, %lt3A_86 : i32
      %convert_element_type3A_88 = arith.extui %lt3A_87 : i1 to i32
      %cond3A_89 = arith.constant 0 : i32
      %cond3A_90 = arith.cmpi ne, %convert_element_type3A_88, %cond3A_89 : i32
      scf.if %cond3A_90 {
        %dma_wait3A_91 = arith.constant 0 : i32
        %dma_wait3A_92 = tpu.memref_slice %arg5[%dma_wait3A_91] : memref<10000xi32, #tpu.memory_space<vmem>> -> memref<128xi32, #tpu.memory_space<vmem>>
        %dma_wait3A_93 = arith.constant 0 : i32
        %dma_wait3A_94 = arith.constant 0 : i32
        %dma_wait3A_95 = tpu.memref_slice %arg2[%dma_wait3A_93, %dma_wait3A_94] : memref<20000x256xf32, #tpu.memory_space<hbm>> -> memref<20000x256xf32, #tpu.memory_space<hbm>>
        tpu.wait_indirect_dma semaphore(%arg11 : memref<!tpu.dma_semaphore, #tpu.memory_space<semaphore_mem>>) src(%dma_wait3A_95 : memref<20000x256xf32, #tpu.memory_space<hbm>>) dst(%arg8 : memref<128x256xf32, #tpu.memory_space<vmem>>)
        %add3A_96 = arith.constant 2 : i32
        %add3A_97 = arith.addi %add3A_85, %add3A_96 : i32
        %lt3A_98 = arith.constant 78 : i32
        %lt3A_99 = arith.cmpi slt, %add3A_97, %lt3A_98 : i32
        %convert_element_type3A_100 = arith.extui %lt3A_99 : i1 to i32
        %cond3A_101 = arith.constant 0 : i32
        %cond3A_102 = arith.cmpi ne, %convert_element_type3A_100, %cond3A_101 : i32
        scf.if %cond3A_102 {
          %ge3A = arith.constant 3 : i32
          %ge3A_110 = arith.cmpi sge, %add3A_97, %ge3A : i32
          %convert_element_type3A_111 = arith.extui %ge3A_110 : i1 to i32
          %cond3A_112 = arith.constant 0 : i32
          %cond3A_113 = arith.cmpi ne, %convert_element_type3A_111, %cond3A_112 : i32
          scf.if %cond3A_113 {
            %dma_wait3A_120 = arith.constant 0 : i32
            %dma_wait3A_121 = tpu.memref_slice %arg4[%mul3A_2, %dma_wait3A_120] : memref<320000x256xf32, #tpu.memory_space<hbm>> -> memref<128x256xf32, #tpu.memory_space<hbm>>
            %dma_wait3A_122 = arith.constant 0 : i32
            %dma_wait3A_123 = tpu.memref_slice %arg4[%mul3A_2, %dma_wait3A_122] : memref<320000x256xf32, #tpu.memory_space<hbm>> -> memref<128x256xf32, #tpu.memory_space<hbm>>
            tpu.wait_dma2 semaphore(%arg13 : memref<!tpu.dma_semaphore, #tpu.memory_space<semaphore_mem>>) src(%arg7 : memref<128x256xf32, #tpu.memory_space<vmem>>) dst(%dma_wait3A_123 : memref<128x256xf32, #tpu.memory_space<hbm>>)
          } else {
          }
          %mul3A_114 = arith.constant 128 : i32
          %mul3A_115 = arith.muli %add3A_97, %mul3A_114 : i32
          %dma_start3A_116 = tpu.memref_slice %arg5[%mul3A_115] : memref<10000xi32, #tpu.memory_space<vmem>> -> memref<128xi32, #tpu.memory_space<vmem>>
          %dma_start3A_117 = arith.constant 0 : i32
          %dma_start3A_118 = arith.constant 0 : i32
          %dma_start3A_119 = tpu.memref_slice %arg2[%dma_start3A_117, %dma_start3A_118] : memref<20000x256xf32, #tpu.memory_space<hbm>> -> memref<20000x256xf32, #tpu.memory_space<hbm>>
          tpu.enqueue_indirect_dma source(%dma_start3A_119 : memref<20000x256xf32, #tpu.memory_space<hbm>>) target(%arg7 : memref<128x256xf32, #tpu.memory_space<vmem>>) offsets(%dma_start3A_116 : memref<128xi32, #tpu.memory_space<vmem>>) semaphore(%arg10 : memref<!tpu.dma_semaphore, #tpu.memory_space<semaphore_mem>>)
        } else {
        }
        %mul3A_103 = arith.constant 128 : i32
        %mul3A_104 = arith.muli %add3A_85, %mul3A_103 : i32
        %add3A_105 = arith.addi %mul3A_2, %mul3A_104 : i32
        %dma_start3A_106 = arith.constant 0 : i32
        %dma_start3A_107 = tpu.memref_slice %arg4[%add3A_105, %dma_start3A_106] : memref<320000x256xf32, #tpu.memory_space<hbm>> -> memref<128x256xf32, #tpu.memory_space<hbm>>
        %dma_start3A_108 = arith.constant 0 : i32
        %dma_start3A_109 = tpu.memref_slice %arg4[%add3A_105, %dma_start3A_108] : memref<320000x256xf32, #tpu.memory_space<hbm>> -> memref<128x256xf32, #tpu.memory_space<hbm>>
        tpu.enqueue_dma source(%arg8 : memref<128x256xf32, #tpu.memory_space<vmem>>) target(%dma_start3A_109 : memref<128x256xf32, #tpu.memory_space<hbm>>) target_semaphore(%arg14 : memref<!tpu.dma_semaphore, #tpu.memory_space<semaphore_mem>>)
      } else {
      }
    }
    %scan3A_16 = arith.constant 26 : i32
    %dma_wait3A = arith.constant 0 : i32
    %dma_wait3A_17 = tpu.memref_slice %arg4[%mul3A_2, %dma_wait3A] : memref<320000x256xf32, #tpu.memory_space<hbm>> -> memref<128x256xf32, #tpu.memory_space<hbm>>
    %dma_wait3A_18 = arith.constant 0 : i32
    %dma_wait3A_19 = tpu.memref_slice %arg4[%mul3A_2, %dma_wait3A_18] : memref<320000x256xf32, #tpu.memory_space<hbm>> -> memref<128x256xf32, #tpu.memory_space<hbm>>
    tpu.wait_dma2 semaphore(%arg12 : memref<!tpu.dma_semaphore, #tpu.memory_space<semaphore_mem>>) src(%arg6 : memref<128x256xf32, #tpu.memory_space<vmem>>) dst(%dma_wait3A_19 : memref<128x256xf32, #tpu.memory_space<hbm>>)
    %dma_start3A_20 = arith.constant 0 : i32
    %dma_start3A_21 = arith.constant 0 : i32
    %dma_start3A_22 = tpu.memref_slice %arg6[%dma_start3A_20, %dma_start3A_21] : memref<128x256xf32, #tpu.memory_space<vmem>> -> memref<16x256xf32, #tpu.memory_space<vmem>>
    %dma_start3A_23 = arith.constant 9984 : i32
    %dma_start3A_24 = tpu.memref_slice %arg5[%dma_start3A_23] : memref<10000xi32, #tpu.memory_space<vmem>> -> memref<16xi32, #tpu.memory_space<vmem>>
    %dma_start3A_25 = arith.constant 0 : i32
    %dma_start3A_26 = arith.constant 0 : i32
    %dma_start3A_27 = tpu.memref_slice %arg2[%dma_start3A_25, %dma_start3A_26] : memref<20000x256xf32, #tpu.memory_space<hbm>> -> memref<20000x256xf32, #tpu.memory_space<hbm>>
    tpu.enqueue_indirect_dma source(%dma_start3A_27 : memref<20000x256xf32, #tpu.memory_space<hbm>>) target(%dma_start3A_22 : memref<16x256xf32, #tpu.memory_space<vmem>>) offsets(%dma_start3A_24 : memref<16xi32, #tpu.memory_space<vmem>>) semaphore(%arg9 : memref<!tpu.dma_semaphore, #tpu.memory_space<semaphore_mem>>)
    %dma_wait3A_28 = arith.constant 0 : i32
    %dma_wait3A_29 = arith.constant 0 : i32
    %dma_wait3A_30 = tpu.memref_slice %arg6[%dma_wait3A_28, %dma_wait3A_29] : memref<128x256xf32, #tpu.memory_space<vmem>> -> memref<16x256xf32, #tpu.memory_space<vmem>>
    %dma_wait3A_31 = arith.constant 9984 : i32
    %dma_wait3A_32 = tpu.memref_slice %arg5[%dma_wait3A_31] : memref<10000xi32, #tpu.memory_space<vmem>> -> memref<16xi32, #tpu.memory_space<vmem>>
    %dma_wait3A_33 = arith.constant 0 : i32
    %dma_wait3A_34 = arith.constant 0 : i32
    %dma_wait3A_35 = tpu.memref_slice %arg2[%dma_wait3A_33, %dma_wait3A_34] : memref<20000x256xf32, #tpu.memory_space<hbm>> -> memref<20000x256xf32, #tpu.memory_space<hbm>>
    tpu.wait_indirect_dma semaphore(%arg9 : memref<!tpu.dma_semaphore, #tpu.memory_space<semaphore_mem>>) src(%dma_wait3A_35 : memref<20000x256xf32, #tpu.memory_space<hbm>>) dst(%dma_wait3A_30 : memref<16x256xf32, #tpu.memory_space<vmem>>)
    %add3A_36 = arith.constant 9984 : i32
    %add3A_37 = arith.addi %mul3A_2, %add3A_36 : i32
    %dma_start3A_38 = arith.constant 0 : i32
    %dma_start3A_39 = arith.constant 0 : i32
    %dma_start3A_40 = tpu.memref_slice %arg6[%dma_start3A_38, %dma_start3A_39] : memref<128x256xf32, #tpu.memory_space<vmem>> -> memref<16x256xf32, #tpu.memory_space<vmem>>
    %dma_start3A_41 = arith.constant 0 : i32
    %dma_start3A_42 = tpu.memref_slice %arg4[%add3A_37, %dma_start3A_41] : memref<320000x256xf32, #tpu.memory_space<hbm>> -> memref<16x256xf32, #tpu.memory_space<hbm>>
    %dma_start3A_43 = arith.constant 0 : i32
    %dma_start3A_44 = tpu.memref_slice %arg4[%add3A_37, %dma_start3A_43] : memref<320000x256xf32, #tpu.memory_space<hbm>> -> memref<16x256xf32, #tpu.memory_space<hbm>>
    %dma_start3A_45 = arith.constant 0 : i32
    %dma_start3A_46 = arith.constant 0 : i32
    %dma_start3A_47 = tpu.memref_slice %arg6[%dma_start3A_45, %dma_start3A_46] : memref<128x256xf32, #tpu.memory_space<vmem>> -> memref<16x256xf32, #tpu.memory_space<vmem>>
    tpu.enqueue_dma source(%dma_start3A_47 : memref<16x256xf32, #tpu.memory_space<vmem>>) target(%dma_start3A_44 : memref<16x256xf32, #tpu.memory_space<hbm>>) target_semaphore(%arg12 : memref<!tpu.dma_semaphore, #tpu.memory_space<semaphore_mem>>)
    %dma_wait3A_48 = arith.constant 0 : i32
    %dma_wait3A_49 = tpu.memref_slice %arg4[%mul3A_2, %dma_wait3A_48] : memref<320000x256xf32, #tpu.memory_space<hbm>> -> memref<128x256xf32, #tpu.memory_space<hbm>>
    %dma_wait3A_50 = arith.constant 0 : i32
    %dma_wait3A_51 = tpu.memref_slice %arg4[%mul3A_2, %dma_wait3A_50] : memref<320000x256xf32, #tpu.memory_space<hbm>> -> memref<128x256xf32, #tpu.memory_space<hbm>>
    tpu.wait_dma2 semaphore(%arg14 : memref<!tpu.dma_semaphore, #tpu.memory_space<semaphore_mem>>) src(%arg8 : memref<128x256xf32, #tpu.memory_space<vmem>>) dst(%dma_wait3A_51 : memref<128x256xf32, #tpu.memory_space<hbm>>)
    %dma_wait3A_52 = arith.constant 0 : i32
    %dma_wait3A_53 = tpu.memref_slice %arg4[%mul3A_2, %dma_wait3A_52] : memref<320000x256xf32, #tpu.memory_space<hbm>> -> memref<128x256xf32, #tpu.memory_space<hbm>>
    %dma_wait3A_54 = arith.constant 0 : i32
    %dma_wait3A_55 = tpu.memref_slice %arg4[%mul3A_2, %dma_wait3A_54] : memref<320000x256xf32, #tpu.memory_space<hbm>> -> memref<128x256xf32, #tpu.memory_space<hbm>>
    tpu.wait_dma2 semaphore(%arg13 : memref<!tpu.dma_semaphore, #tpu.memory_space<semaphore_mem>>) src(%arg7 : memref<128x256xf32, #tpu.memory_space<vmem>>) dst(%dma_wait3A_55 : memref<128x256xf32, #tpu.memory_space<hbm>>)
    %dma_wait3A_56 = arith.constant 0 : i32
    %dma_wait3A_57 = arith.constant 0 : i32
    %dma_wait3A_58 = tpu.memref_slice %arg6[%dma_wait3A_56, %dma_wait3A_57] : memref<128x256xf32, #tpu.memory_space<vmem>> -> memref<16x256xf32, #tpu.memory_space<vmem>>
    %dma_wait3A_59 = arith.constant 0 : i32
    %dma_wait3A_60 = tpu.memref_slice %arg4[%mul3A_2, %dma_wait3A_59] : memref<320000x256xf32, #tpu.memory_space<hbm>> -> memref<16x256xf32, #tpu.memory_space<hbm>>
    %dma_wait3A_61 = arith.constant 0 : i32
    %dma_wait3A_62 = tpu.memref_slice %arg4[%mul3A_2, %dma_wait3A_61] : memref<320000x256xf32, #tpu.memory_space<hbm>> -> memref<16x256xf32, #tpu.memory_space<hbm>>
    %dma_wait3A_63 = arith.constant 0 : i32
    %dma_wait3A_64 = arith.constant 0 : i32
    %dma_wait3A_65 = tpu.memref_slice %arg6[%dma_wait3A_63, %dma_wait3A_64] : memref<128x256xf32, #tpu.memory_space<vmem>> -> memref<16x256xf32, #tpu.memory_space<vmem>>
    tpu.wait_dma2 semaphore(%arg12 : memref<!tpu.dma_semaphore, #tpu.memory_space<semaphore_mem>>) src(%dma_wait3A_65 : memref<16x256xf32, #tpu.memory_space<vmem>>) dst(%dma_wait3A_62 : memref<16x256xf32, #tpu.memory_space<hbm>>)
    return
  }
}

module attributes {stable_mosaic.version = 14 : i64} {
  func.func @_proj_body(%arg0: i32, %arg1: memref<2000x256xf32, #tpu.memory_space<vmem>>, %arg2: memref<256x1024xf32, #tpu.memory_space<vmem>>, %arg3: memref<1x128xf32, #tpu.memory_space<vmem>>, %arg4: memref<128x512xf32, #tpu.memory_space<vmem>>, %arg5: memref<1x512xf32, #tpu.memory_space<vmem>>, %arg6: memref<2000x512xf32, #tpu.memory_space<vmem>>, %arg7: memref<1x512xf32, #tpu.memory_space<vmem>>) attributes {dimension_semantics = [#tpu.dimension_semantics<arbitrary>], iteration_bounds = array<i64: 5>, scalar_prefetch = 0 : i64, scratch_operands = 0 : i64, tpu.core_type = #tpu.core_type<tc>, window_params = [{transform_indices = @transform_0, window_bounds = array<i64: 2000, 256>}, {pipeline_mode = #tpu.pipeline_mode<synchronous>, transform_indices = @transform_1, window_bounds = array<i64: 256, 1024>}, {pipeline_mode = #tpu.pipeline_mode<synchronous>, transform_indices = @transform_2, window_bounds = array<i64: 1, 128>}, {pipeline_mode = #tpu.pipeline_mode<synchronous>, transform_indices = @transform_3, window_bounds = array<i64: 128, 512>}, {pipeline_mode = #tpu.pipeline_mode<synchronous>, transform_indices = @transform_4, window_bounds = array<i64: 1, 512>}, {transform_indices = @transform_5, window_bounds = array<i64: 2000, 512>}, {pipeline_mode = #tpu.pipeline_mode<synchronous>, transform_indices = @transform_6, window_bounds = array<i64: 1, 512>}]} {
    %get3A = arith.constant 0 : index
    %get3A_0 = arith.constant 0 : index
    %get3A_1 = vector.load %arg1[%get3A, %get3A_0] : memref<2000x256xf32, #tpu.memory_space<vmem>>, vector<2000x256xf32>
    %get3A_2 = arith.constant 0 : index
    %get3A_3 = arith.constant 0 : index
    %get3A_4 = vector.load %arg2[%get3A_2, %get3A_3] : memref<256x1024xf32, #tpu.memory_space<vmem>>, vector<256x1024xf32>
    %dot_general3A = arith.constant dense<0.000000e+00> : vector<2000x1024xf32>
    %dot_general3A_5 = tpu.matmul %get3A_1, %get3A_4, %dot_general3A {dimension_numbers = #tpu.dot_dimension_numbers<[1], [0], [0], [1], [0, 0, 1, 1], [], []>, transpose_lhs_hint = false} : vector<2000x256xf32>, vector<256x1024xf32>, vector<2000x1024xf32> -> vector<2000x1024xf32>
    %slice3A = vector.extract_strided_slice %dot_general3A_5 {offsets = [0, 0], sizes = [2000, 256], strides = [1, 1]} : vector<2000x1024xf32> to vector<2000x256xf32>
    %slice3A_6 = vector.extract_strided_slice %dot_general3A_5 {offsets = [0, 256], sizes = [2000, 256], strides = [1, 1]} : vector<2000x1024xf32> to vector<2000x256xf32>
    %convert_element_type3A = arith.truncf %slice3A : vector<2000x256xf32> to vector<2000x256xbf16>
    %convert_element_type3A_7 = arith.extf %convert_element_type3A : vector<2000x256xbf16> to vector<2000x256xf32>
    %bitcast_convert_type3A = tpu.bitcast %convert_element_type3A_7 : vector<2000x256xf32> -> vector<2000x256xi32>
    %convert_element_type3A_8 = arith.truncf %slice3A_6 : vector<2000x256xf32> to vector<2000x256xbf16>
    %convert_element_type3A_9 = arith.extf %convert_element_type3A_8 : vector<2000x256xbf16> to vector<2000x256xf32>
    %bitcast_convert_type3A_10 = tpu.bitcast %convert_element_type3A_9 : vector<2000x256xf32> -> vector<2000x256xi32>
    %shift_right_logical3A = arith.constant 16 : i32
    %shift_right_logical3A_11 = vector.broadcast %shift_right_logical3A : i32 to vector<2000x256xi32>
    %shift_right_logical3A_12 = arith.shrui %bitcast_convert_type3A, %shift_right_logical3A_11 : vector<2000x256xi32>
    %and3A = arith.constant -65536 : i32
    %and3A_13 = vector.broadcast %and3A : i32 to vector<2000x256xi32>
    %and3A_14 = arith.andi %bitcast_convert_type3A_10, %and3A_13 : vector<2000x256xi32>
    %or3A = arith.ori %shift_right_logical3A_12, %and3A_14 : vector<2000x256xi32>
    %bitcast_convert_type3A_15 = tpu.bitcast %or3A : vector<2000x256xi32> -> vector<2000x256xf32>
    %slice3A_16 = vector.extract_strided_slice %dot_general3A_5 {offsets = [0, 512], sizes = [2000, 256], strides = [1, 1]} : vector<2000x1024xf32> to vector<2000x256xf32>
    %slice3A_17 = vector.extract_strided_slice %dot_general3A_5 {offsets = [0, 768], sizes = [2000, 256], strides = [1, 1]} : vector<2000x1024xf32> to vector<2000x256xf32>
    %convert_element_type3A_18 = arith.truncf %slice3A_16 : vector<2000x256xf32> to vector<2000x256xbf16>
    %convert_element_type3A_19 = arith.extf %convert_element_type3A_18 : vector<2000x256xbf16> to vector<2000x256xf32>
    %bitcast_convert_type3A_20 = tpu.bitcast %convert_element_type3A_19 : vector<2000x256xf32> -> vector<2000x256xi32>
    %convert_element_type3A_21 = arith.truncf %slice3A_17 : vector<2000x256xf32> to vector<2000x256xbf16>
    %convert_element_type3A_22 = arith.extf %convert_element_type3A_21 : vector<2000x256xbf16> to vector<2000x256xf32>
    %bitcast_convert_type3A_23 = tpu.bitcast %convert_element_type3A_22 : vector<2000x256xf32> -> vector<2000x256xi32>
    %shift_right_logical3A_24 = arith.constant 16 : i32
    %shift_right_logical3A_25 = vector.broadcast %shift_right_logical3A_24 : i32 to vector<2000x256xi32>
    %shift_right_logical3A_26 = arith.shrui %bitcast_convert_type3A_20, %shift_right_logical3A_25 : vector<2000x256xi32>
    %and3A_27 = arith.constant -65536 : i32
    %and3A_28 = vector.broadcast %and3A_27 : i32 to vector<2000x256xi32>
    %and3A_29 = arith.andi %bitcast_convert_type3A_23, %and3A_28 : vector<2000x256xi32>
    %or3A_30 = arith.ori %shift_right_logical3A_26, %and3A_29 : vector<2000x256xi32>
    %bitcast_convert_type3A_31 = tpu.bitcast %or3A_30 : vector<2000x256xi32> -> vector<2000x256xf32>
    %concatenate3A = tpu.concatenate %bitcast_convert_type3A_15, %bitcast_convert_type3A_31 in 1 : vector<2000x256xf32>, vector<2000x256xf32> -> vector<2000x512xf32>
    %swap3A = arith.constant 0 : index
    %swap3A_32 = arith.constant 0 : index
    %swap3A_33 = vector.load %arg6[%swap3A, %swap3A_32] : memref<2000x512xf32, #tpu.memory_space<vmem>>, vector<2000x512xf32>
    tpu.vector_store %arg6[%swap3A, %swap3A_32], %concatenate3A {strides = array<i32>} : memref<2000x512xf32, #tpu.memory_space<vmem>>, vector<2000x512xf32>,
    %get3A_34 = arith.constant 0 : index
    %get3A_35 = arith.constant 0 : index
    %get3A_36 = vector.load %arg5[%get3A_34, %get3A_35] : memref<1x512xf32, #tpu.memory_space<vmem>>, vector<1x512xf32>
    %get3A_37 = arith.constant 0 : index
    %get3A_38 = arith.constant 0 : index
    %get3A_39 = vector.load %arg3[%get3A_37, %get3A_38] : memref<1x128xf32, #tpu.memory_space<vmem>>, vector<1x128xf32>
    %get3A_40 = arith.constant 0 : index
    %get3A_41 = arith.constant 0 : index
    %get3A_42 = vector.load %arg4[%get3A_40, %get3A_41] : memref<128x512xf32, #tpu.memory_space<vmem>>, vector<128x512xf32>
    %dot_general3A_43 = arith.constant dense<0.000000e+00> : vector<1x512xf32>
    %dot_general3A_44 = tpu.matmul %get3A_39, %get3A_42, %dot_general3A_43 {dimension_numbers = #tpu.dot_dimension_numbers<[1], [0], [0], [1], [0, 0, 1, 1], [], []>, transpose_lhs_hint = false} : vector<1x128xf32>, vector<128x512xf32>, vector<1x512xf32> -> vector<1x512xf32>
    %add3A = arith.addf %get3A_36, %dot_general3A_44 : vector<1x512xf32>
    %swap3A_45 = arith.constant 0 : index
    %swap3A_46 = arith.constant 0 : index
    %swap3A_47 = vector.load %arg7[%swap3A_45, %swap3A_46] : memref<1x512xf32, #tpu.memory_space<vmem>>, vector<1x512xf32>
    tpu.vector_store %arg7[%swap3A_45, %swap3A_46], %add3A {strides = array<i32>} : memref<1x512xf32, #tpu.memory_space<vmem>>, vector<1x512xf32>,
    return
  }
  func.func @transform_0(%arg0: i32) -> (i32, i32) {
    %c0_i32 = arith.constant 0 : i32
    %c0_i32_0 = arith.constant 0 : i32
    return %arg0, %c0_i32 : i32, i32
  }
  func.func @transform_1(%arg0: i32) -> (i32, i32) {
    %c0_i32 = arith.constant 0 : i32
    %c0_i32_0 = arith.constant 0 : i32
    %c0_i32_1 = arith.constant 0 : i32
    return %c0_i32, %c0_i32_0 : i32, i32
  }
  func.func @transform_2(%arg0: i32) -> (i32, i32) {
    %c0_i32 = arith.constant 0 : i32
    %c0_i32_0 = arith.constant 0 : i32
    %c0_i32_1 = arith.constant 0 : i32
    return %c0_i32, %c0_i32_0 : i32, i32
  }
  func.func @transform_3(%arg0: i32) -> (i32, i32) {
    %c0_i32 = arith.constant 0 : i32
    %c0_i32_0 = arith.constant 0 : i32
    %c0_i32_1 = arith.constant 0 : i32
    return %c0_i32, %c0_i32_0 : i32, i32
  }
  func.func @transform_4(%arg0: i32) -> (i32, i32) {
    %c0_i32 = arith.constant 0 : i32
    %c0_i32_0 = arith.constant 0 : i32
    %c0_i32_1 = arith.constant 0 : i32
    return %c0_i32, %c0_i32_0 : i32, i32
  }
  func.func @transform_5(%arg0: i32) -> (i32, i32) {
    %c0_i32 = arith.constant 0 : i32
    %c0_i32_0 = arith.constant 0 : i32
    return %arg0, %c0_i32 : i32, i32
  }
  func.func @transform_6(%arg0: i32) -> (i32, i32) {
    %c0_i32 = arith.constant 0 : i32
    %c0_i32_0 = arith.constant 0 : i32
    %c0_i32_1 = arith.constant 0 : i32
    return %c0_i32, %c0_i32_0 : i32, i32
  }
}

module attributes {stable_mosaic.version = 14 : i64} {
  func.func @_mlp_body(%arg0: i32, %arg1: memref<1600x256xf32, #tpu.memory_space<vmem>>, %arg2: memref<1600x256xf32, #tpu.memory_space<vmem>>, %arg3: memref<1600x16xf32, #tpu.memory_space<vmem>>, %arg4: memref<16x512xf32, #tpu.memory_space<vmem>>, %arg5: memref<1x512xf32, #tpu.memory_space<vmem>>, %arg6: memref<512x256xf32, #tpu.memory_space<vmem>>, %arg7: memref<1x256xf32, #tpu.memory_space<vmem>>, %arg8: memref<1600x256xf32, #tpu.memory_space<vmem>>) attributes {dimension_semantics = [#tpu.dimension_semantics<arbitrary>], iteration_bounds = array<i64: 100>, scalar_prefetch = 0 : i64, scratch_operands = 0 : i64, tpu.core_type = #tpu.core_type<tc>, window_params = [{transform_indices = @transform_0, window_bounds = array<i64: 1600, 256>}, {transform_indices = @transform_1, window_bounds = array<i64: 1600, 256>}, {transform_indices = @transform_2, window_bounds = array<i64: 1600, 16>}, {pipeline_mode = #tpu.pipeline_mode<synchronous>, transform_indices = @transform_3, window_bounds = array<i64: 16, 512>}, {pipeline_mode = #tpu.pipeline_mode<synchronous>, transform_indices = @transform_4, window_bounds = array<i64: 1, 512>}, {pipeline_mode = #tpu.pipeline_mode<synchronous>, transform_indices = @transform_5, window_bounds = array<i64: 512, 256>}, {pipeline_mode = #tpu.pipeline_mode<synchronous>, transform_indices = @transform_6, window_bounds = array<i64: 1, 256>}, {transform_indices = @transform_7, window_bounds = array<i64: 1600, 256>}]} {
    %get3A = arith.constant 0 : index
    %get3A_0 = arith.constant 0 : index
    %get3A_1 = vector.load %arg1[%get3A, %get3A_0] : memref<1600x256xf32, #tpu.memory_space<vmem>>, vector<1600x256xf32>
    %bitcast_convert_type3A = tpu.bitcast %get3A_1 : vector<1600x256xf32> -> vector<1600x256xi32>
    %shift_left3A = arith.constant 16 : i32
    %shift_left3A_2 = vector.broadcast %shift_left3A : i32 to vector<1600x256xi32>
    %shift_left3A_3 = arith.shli %bitcast_convert_type3A, %shift_left3A_2 : vector<1600x256xi32>
    %bitcast_convert_type3A_4 = tpu.bitcast %shift_left3A_3 : vector<1600x256xi32> -> vector<1600x256xf32>
    %and3A = arith.constant -65536 : i32
    %and3A_5 = vector.broadcast %and3A : i32 to vector<1600x256xi32>
    %and3A_6 = arith.andi %bitcast_convert_type3A, %and3A_5 : vector<1600x256xi32>
    %bitcast_convert_type3A_7 = tpu.bitcast %and3A_6 : vector<1600x256xi32> -> vector<1600x256xf32>
    %get3A_8 = arith.constant 0 : index
    %get3A_9 = arith.constant 0 : index
    %get3A_10 = vector.load %arg2[%get3A_8, %get3A_9] : memref<1600x256xf32, #tpu.memory_space<vmem>>, vector<1600x256xf32>
    %bitcast_convert_type3A_11 = tpu.bitcast %get3A_10 : vector<1600x256xf32> -> vector<1600x256xi32>
    %shift_left3A_12 = arith.constant 16 : i32
    %shift_left3A_13 = vector.broadcast %shift_left3A_12 : i32 to vector<1600x256xi32>
    %shift_left3A_14 = arith.shli %bitcast_convert_type3A_11, %shift_left3A_13 : vector<1600x256xi32>
    %bitcast_convert_type3A_15 = tpu.bitcast %shift_left3A_14 : vector<1600x256xi32> -> vector<1600x256xf32>
    %and3A_16 = arith.constant -65536 : i32
    %and3A_17 = vector.broadcast %and3A_16 : i32 to vector<1600x256xi32>
    %and3A_18 = arith.andi %bitcast_convert_type3A_11, %and3A_17 : vector<1600x256xi32>
    %bitcast_convert_type3A_19 = tpu.bitcast %and3A_18 : vector<1600x256xi32> -> vector<1600x256xf32>
    %get3A_20 = arith.constant 0 : index
    %get3A_21 = arith.constant 0 : index
    %get3A_22 = vector.load %arg3[%get3A_20, %get3A_21] : memref<1600x16xf32, #tpu.memory_space<vmem>>, vector<1600x16xf32>
    %get3A_23 = arith.constant 0 : index
    %get3A_24 = arith.constant 0 : index
    %get3A_25 = vector.load %arg4[%get3A_23, %get3A_24] : memref<16x512xf32, #tpu.memory_space<vmem>>, vector<16x512xf32>
    %dot_general3A = arith.constant dense<0.000000e+00> : vector<1600x512xf32>
    %dot_general3A_26 = tpu.matmul %get3A_22, %get3A_25, %dot_general3A {dimension_numbers = #tpu.dot_dimension_numbers<[1], [0], [0], [1], [0, 0, 1, 1], [], []>, transpose_lhs_hint = false} : vector<1600x16xf32>, vector<16x512xf32>, vector<1600x512xf32> -> vector<1600x512xf32>
    %get3A_27 = arith.constant 0 : index
    %get3A_28 = arith.constant 0 : index
    %get3A_29 = vector.load %arg5[%get3A_27, %get3A_28] : memref<1x512xf32, #tpu.memory_space<vmem>>, vector<1x512xf32>
    %add3A = vector.broadcast %get3A_29 : vector<1x512xf32> to vector<1600x512xf32>
    %add3A_30 = arith.addf %dot_general3A_26, %add3A : vector<1600x512xf32>
    %add3A_31 = arith.addf %bitcast_convert_type3A_4, %bitcast_convert_type3A_15 : vector<1600x256xf32>
    %slice3A = vector.extract_strided_slice %add3A_30 {offsets = [0, 0], sizes = [1600, 256], strides = [1, 1]} : vector<1600x512xf32> to vector<1600x256xf32>
    %add3A_32 = arith.addf %add3A_31, %slice3A : vector<1600x256xf32>
    %max3A = arith.constant 0.000000e+00 : f32
    %max3A_33 = vector.broadcast %max3A : f32 to vector<1600x256xf32>
    %max3A_34 = arith.maximumf %add3A_32, %max3A_33 : vector<1600x256xf32>
    %add3A_35 = arith.addf %bitcast_convert_type3A_7, %bitcast_convert_type3A_19 : vector<1600x256xf32>
    %slice3A_36 = vector.extract_strided_slice %add3A_30 {offsets = [0, 256], sizes = [1600, 256], strides = [1, 1]} : vector<1600x512xf32> to vector<1600x256xf32>
    %add3A_37 = arith.addf %add3A_35, %slice3A_36 : vector<1600x256xf32>
    %max3A_38 = arith.constant 0.000000e+00 : f32
    %max3A_39 = vector.broadcast %max3A_38 : f32 to vector<1600x256xf32>
    %max3A_40 = arith.maximumf %add3A_37, %max3A_39 : vector<1600x256xf32>
    %get3A_41 = arith.constant 0 : index
    %get3A_42 = arith.constant 0 : index
    %get3A_43 = vector.load %arg6[%get3A_41, %get3A_42] : memref<512x256xf32, #tpu.memory_space<vmem>>, vector<256x256xf32>
    %dot_general3A_44 = arith.constant dense<0.000000e+00> : vector<1600x256xf32>
    %dot_general3A_45 = tpu.matmul %max3A_34, %get3A_43, %dot_general3A_44 {dimension_numbers = #tpu.dot_dimension_numbers<[1], [0], [0], [1], [0, 0, 1, 1], [], []>, transpose_lhs_hint = false} : vector<1600x256xf32>, vector<256x256xf32>, vector<1600x256xf32> -> vector<1600x256xf32>
    %get3A_46 = arith.constant 256 : index
    %get3A_47 = arith.constant 0 : index
    %get3A_48 = vector.load %arg6[%get3A_46, %get3A_47] : memref<512x256xf32, #tpu.memory_space<vmem>>, vector<256x256xf32>
    %dot_general3A_49 = arith.constant dense<0.000000e+00> : vector<1600x256xf32>
    %dot_general3A_50 = tpu.matmul %max3A_40, %get3A_48, %dot_general3A_49 {dimension_numbers = #tpu.dot_dimension_numbers<[1], [0], [0], [1], [0, 0, 1, 1], [], []>, transpose_lhs_hint = false} : vector<1600x256xf32>, vector<256x256xf32>, vector<1600x256xf32> -> vector<1600x256xf32>
    %add3A_51 = arith.addf %dot_general3A_45, %dot_general3A_50 : vector<1600x256xf32>
    %get3A_52 = arith.constant 0 : index
    %get3A_53 = arith.constant 0 : index
    %get3A_54 = vector.load %arg7[%get3A_52, %get3A_53] : memref<1x256xf32, #tpu.memory_space<vmem>>, vector<1x256xf32>
    %add3A_55 = vector.broadcast %get3A_54 : vector<1x256xf32> to vector<1600x256xf32>
    %add3A_56 = arith.addf %add3A_51, %add3A_55 : vector<1600x256xf32>
    %swap3A = arith.constant 0 : index
    %swap3A_57 = arith.constant 0 : index
    %swap3A_58 = vector.load %arg8[%swap3A, %swap3A_57] : memref<1600x256xf32, #tpu.memory_space<vmem>>, vector<1600x256xf32>
    tpu.vector_store %arg8[%swap3A, %swap3A_57], %add3A_56 {strides = array<i32>} : memref<1600x256xf32, #tpu.memory_space<vmem>>, vector<1600x256xf32>,
    return
  }
  func.func @transform_0(%arg0: i32) -> (i32, i32) {
    %c0_i32 = arith.constant 0 : i32
    %c0_i32_0 = arith.constant 0 : i32
    return %arg0, %c0_i32 : i32, i32
  }
  func.func @transform_1(%arg0: i32) -> (i32, i32) {
    %add3A = arith.constant 100 : i32
    %add3A_0 = arith.addi %arg0, %add3A : i32
    %c0_i32 = arith.constant 0 : i32
    %c0_i32_1 = arith.constant 0 : i32
    return %add3A_0, %c0_i32 : i32, i32
  }
  func.func @transform_2(%arg0: i32) -> (i32, i32) {
    %c0_i32 = arith.constant 0 : i32
    %c0_i32_0 = arith.constant 0 : i32
    return %arg0, %c0_i32 : i32, i32
  }
  func.func @transform_3(%arg0: i32) -> (i32, i32) {
    %c0_i32 = arith.constant 0 : i32
    %c0_i32_0 = arith.constant 0 : i32
    %c0_i32_1 = arith.constant 0 : i32
    return %c0_i32, %c0_i32_0 : i32, i32
  }
  func.func @transform_4(%arg0: i32) -> (i32, i32) {
    %c0_i32 = arith.constant 0 : i32
    %c0_i32_0 = arith.constant 0 : i32
    %c0_i32_1 = arith.constant 0 : i32
    return %c0_i32, %c0_i32_0 : i32, i32
  }
  func.func @transform_5(%arg0: i32) -> (i32, i32) {
    %c0_i32 = arith.constant 0 : i32
    %c0_i32_0 = arith.constant 0 : i32
    %c0_i32_1 = arith.constant 0 : i32
    return %c0_i32, %c0_i32_0 : i32, i32
  }
  func.func @transform_6(%arg0: i32) -> (i32, i32) {
    %c0_i32 = arith.constant 0 : i32
    %c0_i32_0 = arith.constant 0 : i32
    %c0_i32_1 = arith.constant 0 : i32
    return %c0_i32, %c0_i32_0 : i32, i32
  }
  func.func @transform_7(%arg0: i32) -> (i32, i32) {
    %add3A = arith.constant 0 : i32
    %add3A_0 = arith.addi %arg0, %add3A : i32
    %c0_i32 = arith.constant 0 : i32
    %c0_i32_1 = arith.constant 0 : i32
    return %add3A_0, %c0_i32 : i32, i32
  }
}

</mosaic_0001>

<sc_bundles>
// kernel: kernel.5.cloned.1.call-start
scs
__scs_entry_jumppad:
0x0: {  	(pc) =	sbr.rel $0x88, $3  }
0x1: {  	(tag) =	ssettag $0x0;
	lr =	simm.s32 $0x1  }
0x2: {  	[smem:$0x3F99] =	sst lr;
	_ =	strace $0xD0000000  }
0x3: {  	_ = 	snop  }
0x4: {  	_ = 	snop  }
0x5: {  	_ = 	snop  }
0x6: {  	_ = 	snop  }
0x7: {  	_ = 	snop  }
__scs_overlays_trampoline_lowered:
0x8: {  	[smem:$0x3FA8] =	sst s0  }
0x9: {  	[smem:$0x3FA9] =	sst s1  }
0xa: {  	[smem:$0x3FAA] =	sst s2  }
0xb: {  	[smem:$0x3FAB] =	sst s3  }
0xc: {  	[smem:$0x3FAC] =	sst s4  }
0xd: {  	[smem:$0x3FAD] =	sst s5  }
0xe: {  	[smem:$0x3FAE] =	sst s6  }
0xf: {  	[smem:$0x3FAF] =	sst s7  }
0x10: {  	[smem:$0x3FB0] =	sst s8  }
0x11: {  	[smem:$0x3FB1] =	sst s9;
	s0 =	simm.s32 @!p0 $0x0  }
0x12: {  	s1 =	sld [smem:$0x3F97];
	s0 =	simm.s32 @p0 $0x1  }
0x13: {  	[smem:$0x3FB2] =	sst s0;
	s0 =	simm.s32 @!p1 $0x0  }
0x14: {  	s2 =	sld [smem:$0x3F96];
	s0 =	simm.s32 @p1 $0x1  }
0x15: {  	[smem:$0x3FB3] =	sst s0;
	s0 =	simm.s32 @!p2 $0x0  }
0x16: {  	s3 =	sld [smem:$0x3FDB];
	s0 =	simm.s32 @p2 $0x1  }
0x17: {  	s4 =	simm.s32 $0x1BF5;
	[smem:$0x3FB5] =	sst s0  }
0x18: {  	s0 =	sld [smem:$0x3F98];
	_ =	swait.ge [sflag:s4], $0x0  }
0x19: {  	s7 =	sld [smem:$0x3F99]  }
0x1a: {  	s8 =	sadd.s32 $0xFFFFE003, lr  }
0x1b: {  	s9 =	sadd.s32 $0xFFFFFEF7, lr;
	s5 =	simm.s32 $0xFFFFFFFF;
	p2 =	slt.u32 s8, $0xFFFFF086  }
0x1c: {  	p1 =	slt.u32 s9, $0xF7A;
	s5 =	simm.s32 @!p2 $0x0  }
0x1d: {  	s5 =	simm.s32 @p1 $0x1;
	p0 =	seq.s32 s7, s2  }
0x1e: {  	s7 =	smul.u32 @!p0 $0xF7A, s2;
	p2 =	seq.s32 @!p0 s5, $0x0  }
0x1f: {  	s9 =	smul.u32 $0xF7A, s1;
	s8 =	simm.s32 @!p0 $0x1BF5;
	p2 =	por !p2, p0  }
0x20: {  	[sflag:s8] =	ssyncset.s32 @!p0 $0xFFFFF086;
	s6 =	sadd.s32 @!p0 s3, s7;
	s7 =	simm.s32 @!p0 $0x108  }
0x21: {  	s3 =	sadd.s32 s3, s9;
	s6 =	sadd.s32 @!p0 $0x88, s6;
	s7 =	simm.s32 @p2 $0x1082  }
0x22: {  	[simem:s7], [sflag:s8] =	dma.local @!p0 [hbm:s6], $0xF7A  }
0x23: {  	s9 =	sor.u32 $0xD0000000, s2;
	s6 =	simm.s32 $0x108;
	_ =	swait.ge @!p0 [sflag:s8], $0x0  }
0x24: {  	s3 =	sadd.s32 $0x88, s3;
	s6 =	simm.s32 @!p1 $0x1082;
	[sflag:s4] =	ssyncset.s32 $0xFFFFF086  }
0x25: {  	[simem:s6], [sflag:s4] =	dma.local [hbm:s3], $0xF7A  }
0x26: {  	[smem:$0x3F99] =	sst s1;
	(tag) =	ssettag s2;
	_ =	strace s9  }
0x27: {  	s1 =	sld [smem:$0x3FA9]  }
0x28: {  	s2 =	sld [smem:$0x3FAA]  }
0x29: {  	s4 =	sld [smem:$0x3FAC]  }
0x2a: {  	p0 =	seq.s32 s5, $0x0;
	s5 =	sld [smem:$0x3FAD]  }
0x2b: {  	s6 =	sld [smem:$0x3FAE]  }
0x2c: {  	s7 =	sld [smem:$0x3FAF]  }
0x2d: {  	s3 =	simm.s32 $0x108;
	s8 =	sld [smem:$0x3FB0]  }
0x2e: {  	s3 =	simm.s32 @!p0 $0x1082;
	s9 =	sld [smem:$0x3FB1]  }
0x2f: {  	lr =	sadd.s32 s0, s3;
	s0 =	sld [smem:$0x3FA8]  }
0x30: {  	s3 =	sld [smem:$0x3FAB]  }
0x31: {  	[smem:$0x3FB4] =	sst s10  }
0x32: {  	s10 =	sld [smem:$0x3FB2];
	_ =	sdelay $0x3  }
0x33: {  	p0 =	seq.s32 s10, $0x1;
	s10 =	sld [smem:$0x3FB4];
	_ =	sdelay $0x3  }
0x34: {  	[smem:$0x3FB4] =	sst s10  }
0x35: {  	s10 =	sld [smem:$0x3FB3];
	_ =	sdelay $0x3  }
0x36: {  	p1 =	seq.s32 s10, $0x1;
	s10 =	sld [smem:$0x3FB4];
	_ =	sdelay $0x3  }
0x37: {  	[smem:$0x3FB4] =	sst s10  }
0x38: {  	s10 =	sld [smem:$0x3FB5]  }
0x39: {  	_ = 	snop;
	(pc) =	sbr.ind lr, $3  }
0x3a: {  	_ = 	snop  }
0x3b: {  	_ = 	snop  }
0x3c: {  	p2 =	seq.s32 s10, $0x1;
	s10 =	sld [smem:$0x3FB4]  }
0x3d: {  	_ =	shalt  }
0x3e: {  	_ =	shalt  }
0x3f: {  	_ =	shalt  }
0x40: {  	_ =	shalt  }
0x41: {  	_ =	shalt  }
0x42: {  	_ =	shalt  }
0x43: {  	_ =	shalt  }
0x44: {  	_ =	shalt  }
0x45: {  	_ =	shalt  }
0x46: {  	_ =	shalt  }
0x47: {  	_ =	shalt  }
0x48: {  	_ =	shalt  }
0x49: {  	_ =	shalt  }
0x4a: {  	_ =	shalt  }
0x4b: {  	_ =	shalt  }
0x4c: {  	_ =	shalt  }
0x4d: {  	_ =	shalt  }
0x4e: {  	_ =	shalt  }
0x4f: {  	_ =	shalt  }
0x50: {  	_ =	shalt  }
0x51: {  	_ =	shalt  }
0x52: {  	_ =	shalt  }
0x53: {  	_ =	shalt  }
0x54: {  	_ =	shalt  }
0x55: {  	_ =	shalt  }
0x56: {  	_ =	shalt  }
0x57: {  	_ =	shalt  }
0x58: {  	_ =	shalt  }
0x59: {  	_ =	shalt  }
0x5a: {  	_ =	shalt  }
0x5b: {  	_ =	shalt  }
0x5c: {  	_ =	shalt  }
0x5d: {  	_ =	shalt  }
0x5e: {  	_ =	shalt  }
0x5f: {  	_ =	shalt  }
0x60: {  	_ =	shalt  }
0x61: {  	_ =	shalt  }
0x62: {  	_ =	shalt  }
0x63: {  	_ =	shalt  }
0x64: {  	_ =	shalt  }
0x65: {  	_ =	shalt  }
0x66: {  	_ =	shalt  }
0x67: {  	_ =	shalt  }
0x68: {  	_ =	shalt  }
0x69: {  	_ =	shalt  }
0x6a: {  	_ =	shalt  }
0x6b: {  	_ =	shalt  }
0x6c: {  	_ =	shalt  }
0x6d: {  	_ =	shalt  }
0x6e: {  	_ =	shalt  }
0x6f: {  	_ =	shalt  }
0x70: {  	_ =	shalt  }
0x71: {  	_ =	shalt  }
0x72: {  	_ =	shalt  }
0x73: {  	_ =	shalt  }
0x74: {  	_ =	shalt  }
0x75: {  	_ =	shalt  }
0x76: {  	_ =	shalt  }
0x77: {  	_ =	shalt  }
0x78: {  	_ =	shalt  }
0x79: {  	_ =	shalt  }
0x7a: {  	_ =	shalt  }
0x7b: {  	_ =	shalt  }
0x7c: {  	_ =	shalt  }
0x7d: {  	_ =	shalt  }
0x7e: {  	_ =	shalt  }
0x7f: {  	_ =	shalt  }
0x80: {  	_ =	shalt  }
0x81: {  	_ =	shalt  }
0x82: {  	_ =	shalt  }
0x83: {  	_ =	shalt  }
0x84: {  	_ =	shalt  }
0x85: {  	_ =	shalt  }
0x86: {  	_ =	shalt  }
0x87: {  	_ =	shalt  }
.Lfunc_end0:
.L_simem_size_0:
called_computation_lowered:
.L_overlay_start_0:
0x88: {  	s2 =	sld [smem:$0x3FD9]  }
0x89: {  	s3 =	sld [smem:$0x3FFE];
	_ =	sdelay $0x1  }
0x8a: {  	s1 =	srdreg.scid  }
0x8b: {  	s0 =	sand.u32 $0x1, s1  }
0x8c: {  	s17 =	sshll.u32 s0, $0xA;
	s2 =	sadd.s32 s3, s2  }
0x8d: {  	s2 =	sadd.s32 s2, s17  }
0x8e: {  	[smem:$0x3FC0] =	sst s2  }
0x8f: {  	_ = 	snop  }
0x90: {  	s2 =	sld [smem:$0x3FD0];
	(tm) =	ssettm $0x1  }
0x91: {  	s18 =	sld [smem:$0x3FFB];
	_ =	sdelay $0x3  }
0x92: {  	_ =	strace s18  }
0x93: {  	s3 =	sld [smem:$0x3FFC];
	_ =	sdelay $0x3  }
0x94: {  	_ =	strace s3  }
0x95: {  	s3 =	sld [smem:$0x3FFD];
	_ =	sdelay $0x3  }
0x96: {  	_ =	strace s3  }
0x97: {  	_ =	strace $0x8FFFFFFF  }
0x98: {  	s19 =	sld [smem:$0x3FDB];
	_ =	sdelay $0x1  }
0x99: {  	s4 =	simm.s32 $_scs_section_size  }
0x9a: {  	s5 =	simm.s32 $_size__tile_overlayer_lowered;
	s6 =	simm.s32 $_tile_overlayer_lowered  }
0x9b: {  	s22 =	simm.s32 $0x1BFF;
	s21 =	sshll.u32 s6, $0x1;
	s3 =	sadd.s32 s4, s19  }
0x9c: {  	s7 =	simm.s32 $0x0;
	s20 =	sshll.u32 s5, $0x1;
	s5 =	sadd.s32 s21, s3  }
0x9d: {  	[timem:s7], [sflag:s22] =	dma.local [hbm:s5], s20  }
0x9e: {  	_ =	swait.ge [sflag:s22], s20  }
0x9f: {  	s4 =	ssub.s32 $0x0, s20;
	[sflag:s22] =	ssyncset.done $0x0  }
0xa0: {  	[sflag:s22] =	ssyncadd.s32 s4;
	_ =	sdelay $0x1  }
0xa1: {  	s23 =	simm.s32 $0x1B8B  }
0xa2: {  	_ =	swait.ge [sflag:s23], $0x1  }
0xa3: {  	[sflag:s23] =	ssyncset.done $0x0  }
0xa4: {  	s25 =	simm.s32 $0x1B8E;
	s24 =	sld [smem:$0x3FFE];
	[sflag:s23] =	ssyncadd.s32 $0xFFFFFFFF  }
0xa5: {  	s26 =	simm.s32 $execute0_lowered;
	[smem:$0x3FD2] =	sst s25  }
0xa6: {  	s5 =	sshll.u32 s26, $0x1;
	_ =	strace $0x80000046;
	[dreg:$0x1] =	wrdreg $0xFFFFFFFF  }
0xa7: {  	s28 =	simm.s32 $_size_execute0_lowered;
	s3 =	sadd.s32 s3, s5;
	[dreg:$0x0] =	wrdreg $0x0  }
0xa8: {  	s5 =	sshll.u32 s28, $0x1;
	[dreg:$0x2] =	wrdreg s3  }
0xa9: {  	[dreg:$0x3] =	wrdreg s5  }
0xaa: {  	[dreg:$0x4] =	wrdreg $0xC0  }
0xab: {  	_ =	task [dreg:s7], $0x5FFFF  }
0xac: {  	[dreg:$0x1] =	wrdreg $0xFFFFFFFF  }
0xad: {  	[dreg:$0x0] =	wrdreg $0x60  }
0xae: {  	[dreg:$0x2] =	wrdreg s24  }
0xaf: {  	[dreg:$0x3] =	wrdreg s2  }
0xb0: {  	[dreg:$0x4] =	wrdreg $0x9  }
0xb1: {  	_ =	task.clear_ibuf [dreg:s7], $0x5FFFF;
	_ =	strace $0x90000046  }
0xb2: {  	s29 =	simm.s32 $0x9;
	_ =	strace $0x80000048  }
0xb3: {  	_ =	swait.ge [sflag:s29], $0x1  }
0xb4: {  	[sflag:s29] =	ssyncadd.s32 $0xFFFFFFFF  }
0xb5: {  	_ =	strace $0x90000048  }
0xb6: {  	_ =	sfence  }
0xb7: {  	s30 =	sld [smem:$0x0];
	_ =	sdelay $0x2  }
0xb8: {  	s31 =	sshll.u32 s1, $0xD;
	s1 =	sshrl.u32 s1, $0x2  }
0xb9: {  	s3 =	sand.u32 $0x4000, s31;
	s1 =	sadd.s32 s1, s30  }
0xba: {  	s0 =	sor.u32 s3, s0;
	s1 =	sshll.u32 s1, $0x11  }
0xbb: {  	s0 =	sor.u32 s1, s0  }
0xbc: {  	s0 =	sadd.s32 $0x8F2B, s0  }
0xbd: {  	[sflag:s0] =	ssyncadd.remote.s32 $0x1  }
0xbe: {  	_ =	sfence.sel $0xFFFF  }
0xbf: {  	[dreg:$0x0] =	wrdreg $0xFFFFFFFF;
	(pc) =	sbr.abs _section_cstart, $3  }
0xc0: {  	[dreg:$0x1] =	wrdreg $0xFFFFFFFF  }
0xc1: {  	_ =	task.clear_ibuf [dreg:s7], $0x2FFFF;
	_ =	strace $0x9FFFFFFF  }
0xc2: {  	(tm) =	ssettm $0x7FFFFFFF  }
0xc3: {  	_ =	shalt  }
tec
execute0_lowered:
.L_overlay_start_1:
0x0: {  	(tag) =	ssettag $0x1  }
0x1: {  	s0 =	rddreg [dreg:$0x0]  }
0x2: {  	s1 =	rddreg [dreg:$0x1]  }
0x3: {  	s3 =	srdreg.scid;
	s11 =	stileid.u32;
	s2 =	simm.s32 $0x0  }
0x4: {  	s17 =	simm.s32 $0x2F80;
	s28 =	simm.s32 $0xA780;
	s19 =	simm.s32 $0x1  }
0x5: {  	s29 =	simm.s32 $0x15F80;
	s30 =	simm.s32 $0x16780;
	s31 =	simm.s32 $0x16F80  }
0x6: {  	s13 =	simm.s32 $0x2;
	s14 =	simm.s32 $0x3;
	s15 =	simm.s32 $0x4  }
0x7: {  	s16 =	simm.s32 $0x5;
	s18 =	simm.s32 $0x0;
	s9 =	smul.u32 $0x4E2000, s11  }
0x8: {  	s4 =	sand.u32 $0x1, s3;
	s20 =	sshll.u32 s11, $0x1;
	s22 =	smul.u32 $0x9C400, s11  }
0x9: {  	[smem:$0x7FF] =	sst s2;
	s3 =	sadd.s32 $0x1200, s0;
	s10 =	smul.u32 $0x271000, s4  }
0xa: {  	s5 =	sor.u32 s4, s20;
	s7 =	ssub.s32 $0x2, s4;
	s4 =	smul.u32 $0x4E200, s4  }
0xb: {  	s0 =	sadd.s32 $0x9D600, s0;
	s11 =	simm.s32 $0x2780;
	s6 =	smul.u32 $0x2710, s5  }
0xc: {  	_ =	strace $0x80000047;
	s5 =	smul.u32 $0x271000, s5;
	s8 =	sshrl.u32 s7, $0x1  }
0xd: {  	s20 =	simm.s32 $0x12780;
	s7 =	ssub.s32 s7, s8;
	s23 =	sadd.s32 s10, s9  }
0xe: {  	s10 =	simm.s32 $0x19F80;
	s6 =	sshrl.u32 s6, $0x3;
	s5 =	sshrl.u32 s5, $0x3  }
0xf: {  	s24 =	smax.u32 s7, $0x1;
	s25 =	sadd.s32 $0x8000, s23;
	s1 =	sadd.s32 s1, s6  }
0x10: {  	s21 =	sadd.s32 s0, s5;
	[dreg:$0x5] =	wrdreg s24;
	s6 =	sshrl.u32 s25, $0x3  }
0x11: {  	s5 =	sadd.s32 $0x10000, s23;
	s23 =	simm.s32 $0x13F80;
	s24 =	simm.s32 $0x14780  }
0x12: {  	s25 =	simm.s32 $0x14F80;
	[dreg:$0x3] =	wrdreg s1;
	s1 =	sadd.s32 $0x4E000, s21  }
.Ltmp0:
0x13: {  	s8 =	sadd.s32 s6, s0;
	s26 =	sshrl.u32 s5, $0x3;
	(pc) =	sbr.rel .LBB2_1-.Ltmp0, $4  }
0x14: {  	s21 =	simm.s32 $0x12F80;
	s5 =	simm.s32 $0x18F80;
	s6 =	simm.s32 $0x19780  }
0x15: {  	v2 =	vlaneseq.u32;
	[dreg:$0x4] =	wrdreg s1;
	s1 =	sadd.s32 s22, s0;
	s9 =	sadd.s32 s26, s0  }
0x16: {  	vm0 =	vmmov $0xffff;
	v1 =	vshrl.u32 v2, $0x3;
	s22 =	simm.s32 $0x13780;
	s26 =	simm.s32 $0x15780;
	s0 =	simm.s32 $0x17780  }
0x17: {  	v0 =	vand.u32 $0x7, v2;
	v2 =	vor.u32 $0x8, v2;
	v1 =	vmul.u32 $0x8, v1;
	s7 =	sadd.s32 s4, s1;
	s1 =	simm.s32 $0x17F80;
	s4 =	simm.s32 $0x18780  }
.LBB2_7:
0x18: {  	_ =	swait.ge [sflag:s15], $0x8000  }
0x19: {  	[sflag:s15] =	ssyncset.done $0x0  }
0x1a: {  	[sflag:s15] =	ssyncadd.s32 $0xFFFF8000  }
0x1b: {  	v3 =	vld [tilespmem:$0x2700];
	_ =	sdelay $0x4  }
0x1c: {  	v4 =	vshll.u32 v3, $0x1  }
0x1d: {  	v3 =	vand.u32 $0x7, v3;
	v4 =	vand.u32 $0xFFFFFFF0, v4  }
0x1e: {  	v3 =	vor.u32 v3, v4  }
0x1f: {  	v4 =	vperm.xlane v3, v0;
	_ =	sdelay $0x1  }
0x20: {  	v3 =	vperm.xlane v3, v2;
	v4 =	vadd.s32 v1, v4;
	_ =	sdelay $0x1  }
0x21: {  	v3 =	vadd.s32 v1, v3;
	_ =	sdelay $0x2  }
0x22: {  	[tilespmem:s11], [sflag:$0x1] =	stream.indirect_vreg.gather [hbm4b:s3+s2], $0x80, v4, vm0, $0xb8;
	[tilespmem:$0x1A780] =	vst v63  }
0x23: {  	s17 =	simm.s32 $0x2F80  }
0x24: {  	[tilespmem:s17], [sflag:$0x1] =	stream.indirect_vreg.gather [hbm4b:s3+s2], $0x80, v3, vm0, $0xb8;
	[tilespmem:$0x1A780] =	vst v63  }
0x25: {  	_ =	swait.ge [sflag:s19], $0x1000  }
0x26: {  	[sflag:s19] =	ssyncset.done $0x0  }
0x27: {  	s18 =	simm.s32 $0x6;
	s12 =	rddreg [dreg:$0x4];
	[sflag:s19] =	ssyncadd.s32 $0xFFFFF000  }
0x28: {  	[hbm4b:s12+s2] =	stream.linear.scatter [tilespmem:s11], [sflag:$0x4], $0x1000, $0x38;
	[tilespmem:$0x1A780] =	vst v63  }
0x29: {  	_ =	swait.ge [sflag:s18], $0x8000  }
0x2a: {  	[sflag:s18] =	ssyncset.done $0x0  }
0x2b: {  	[sflag:s18] =	ssyncadd.s32 $0xFFFF8000  }
0x2c: {  	_ =	swait.ge [sflag:s16], $0x8000  }
0x2d: {  	[sflag:s16] =	ssyncset.done $0x0  }
0x2e: {  	[sflag:s16] =	ssyncadd.s32 $0xFFFF8000  }
0x2f: {  	_ =	swait.ge [sflag:s15], $0x1000  }
0x30: {  	s18 =	rddreg [dreg:$0x6]  }
0x31: {  	s12 =	rddreg [dreg:$0x5];
	s18 =	sadd.s32 $0x1, s18  }
0x32: {  	p0 =	sne.s32 s18, s12  }
.Ltmp1:
0x33: {  	_ = 	snop;
	(pc) =	sbr.rel @!p0 .LBB2_8-.Ltmp1, $3  }
0x34: {  	_ =	sdelay $0x1  }
0x35: {  	[sflag:s15] =	ssyncset.done $0x0  }
0x36: {  	[sflag:s15] =	ssyncadd.s32 $0xFFFFF000  }
.LBB2_1:
0x37: {  	[dreg:$0x6] =	wrdreg s18  }
0x38: {  	s12 =	rddreg [dreg:$0x3];
	s18 =	simm.s32 $0x7  }
0x39: {  	[tilespmem:s2], [sflag:$0x7] =	stream.linear.gather [hbm4b:s12+s2], $0x2710, $0x38;
	[tilespmem:$0x1A780] =	vst v63  }
0x3a: {  	_ =	swait.ge [sflag:s18], $0x2710  }
0x3b: {  	[sflag:s18] =	ssyncset.done $0x0  }
0x3c: {  	[sflag:s18] =	ssyncadd.s32 $0xFFFFD8F0  }
0x3d: {  	v3 =	vld [tilespmem:$0x0];
	_ =	sdelay $0x4  }
0x3e: {  	v4 =	vshll.u32 v3, $0x1  }
0x3f: {  	v3 =	vand.u32 $0x7, v3;
	v4 =	vand.u32 $0xFFFFFFF0, v4  }
0x40: {  	v3 =	vor.u32 v3, v4  }
0x41: {  	v4 =	vperm.xlane v3, v0;
	_ =	sdelay $0x1  }
0x42: {  	v3 =	vperm.xlane v3, v2;
	v4 =	vadd.s32 v1, v4;
	_ =	sdelay $0x1  }
0x43: {  	v3 =	vadd.s32 v1, v3;
	_ =	sdelay $0x2  }
0x44: {  	[tilespmem:s11], [sflag:$0x1] =	stream.indirect_vreg.gather [hbm4b:s3+s2], $0x80, v4, vm0, $0xb8;
	[tilespmem:$0x1A780] =	vst v63  }
0x45: {  	_ = 	snop  }
0x46: {  	[tilespmem:s17], [sflag:$0x1] =	stream.indirect_vreg.gather [hbm4b:s3+s2], $0x80, v3, vm0, $0xb8;
	[tilespmem:$0x1A780] =	vst v63  }
0x47: {  	v3 =	vld [tilespmem:$0x10];
	_ =	sdelay $0x4  }
0x48: {  	v49 =	vshll.u32 v3, $0x1  }
0x49: {  	v3 =	vand.u32 $0x7, v3;
	v4 =	vand.u32 $0xFFFFFFF0, v49  }
0x4a: {  	v3 =	vor.u32 v3, v4  }
0x4b: {  	v4 =	vperm.xlane v3, v0;
	_ =	sdelay $0x1  }
0x4c: {  	v3 =	vperm.xlane v3, v2;
	v4 =	vadd.s32 v1, v4;
	_ =	sdelay $0x1  }
0x4d: {  	v3 =	vadd.s32 v1, v3;
	_ =	sdelay $0x1  }
0x4e: {  	s18 =	simm.s32 $0x3780  }
0x4f: {  	[tilespmem:s18], [sflag:$0x1] =	stream.indirect_vreg.gather [hbm4b:s3+s2], $0x80, v4, vm0, $0xb8;
	[tilespmem:$0x1A780] =	vst v63  }
0x50: {  	s17 =	simm.s32 $0x3F80  }
0x51: {  	[tilespmem:s17], [sflag:$0x1] =	stream.indirect_vreg.gather [hbm4b:s3+s2], $0x80, v3, vm0, $0xb8;
	[tilespmem:$0x1A780] =	vst v63  }
0x52: {  	v3 =	vld [tilespmem:$0x20];
	_ =	sdelay $0x4  }
0x53: {  	v50 =	vshll.u32 v3, $0x1  }
0x54: {  	v3 =	vand.u32 $0x7, v3;
	v4 =	vand.u32 $0xFFFFFFF0, v50  }
0x55: {  	v3 =	vor.u32 v3, v4  }
0x56: {  	v4 =	vperm.xlane v3, v0;
	_ =	sdelay $0x1  }
0x57: {  	v3 =	vperm.xlane v3, v2;
	v4 =	vadd.s32 v1, v4;
	_ =	sdelay $0x1  }
0x58: {  	v3 =	vadd.s32 v1, v3;
	_ =	sdelay $0x1  }
0x59: {  	s18 =	simm.s32 $0x4780  }
0x5a: {  	[tilespmem:s18], [sflag:$0x1] =	stream.indirect_vreg.gather [hbm4b:s3+s2], $0x80, v4, vm0, $0xb8;
	[tilespmem:$0x1A780] =	vst v63  }
0x5b: {  	s17 =	simm.s32 $0x4F80  }
0x5c: {  	[tilespmem:s17], [sflag:$0x1] =	stream.indirect_vreg.gather [hbm4b:s3+s2], $0x80, v3, vm0, $0xb8;
	[tilespmem:$0x1A780] =	vst v63  }
0x5d: {  	v3 =	vld [tilespmem:$0x30];
	_ =	sdelay $0x4  }
0x5e: {  	v51 =	vshll.u32 v3, $0x1  }
0x5f: {  	v3 =	vand.u32 $0x7, v3;
	v4 =	vand.u32 $0xFFFFFFF0, v51  }
0x60: {  	v3 =	vor.u32 v3, v4  }
0x61: {  	v4 =	vperm.xlane v3, v0;
	_ =	sdelay $0x1  }
0x62: {  	v3 =	vperm.xlane v3, v2;
	v4 =	vadd.s32 v1, v4;
	_ =	sdelay $0x1  }
0x63: {  	v3 =	vadd.s32 v1, v3;
	_ =	sdelay $0x1  }
0x64: {  	s18 =	simm.s32 $0x5780  }
0x65: {  	[tilespmem:s18], [sflag:$0x1] =	stream.indirect_vreg.gather [hbm4b:s3+s2], $0x80, v4, vm0, $0xb8;
	[tilespmem:$0x1A780] =	vst v63  }
0x66: {  	s17 =	simm.s32 $0x5F80  }
0x67: {  	[tilespmem:s17], [sflag:$0x1] =	stream.indirect_vreg.gather [hbm4b:s3+s2], $0x80, v3, vm0, $0xb8;
	[tilespmem:$0x1A780] =	vst v63  }
0x68: {  	v3 =	vld [tilespmem:$0x40];
	_ =	sdelay $0x4  }
0x69: {  	v52 =	vshll.u32 v3, $0x1  }
0x6a: {  	v3 =	vand.u32 $0x7, v3;
	v4 =	vand.u32 $0xFFFFFFF0, v52  }
0x6b: {  	v3 =	vor.u32 v3, v4  }
0x6c: {  	v4 =	vperm.xlane v3, v0;
	_ =	sdelay $0x1  }
0x6d: {  	v3 =	vperm.xlane v3, v2;
	v4 =	vadd.s32 v1, v4;
	_ =	sdelay $0x1  }
0x6e: {  	v3 =	vadd.s32 v1, v3;
	_ =	sdelay $0x1  }
0x6f: {  	s18 =	simm.s32 $0x6780  }
0x70: {  	[tilespmem:s18], [sflag:$0x1] =	stream.indirect_vreg.gather [hbm4b:s3+s2], $0x80, v4, vm0, $0xb8;
	[tilespmem:$0x1A780] =	vst v63  }
0x71: {  	s17 =	simm.s32 $0x6F80  }
0x72: {  	[tilespmem:s17], [sflag:$0x1] =	stream.indirect_vreg.gather [hbm4b:s3+s2], $0x80, v3, vm0, $0xb8;
	[tilespmem:$0x1A780] =	vst v63  }
0x73: {  	v3 =	vld [tilespmem:$0x50];
	_ =	sdelay $0x4  }
0x74: {  	v53 =	vshll.u32 v3, $0x1  }
0x75: {  	v3 =	vand.u32 $0x7, v3;
	v4 =	vand.u32 $0xFFFFFFF0, v53  }
0x76: {  	v3 =	vor.u32 v3, v4  }
0x77: {  	v4 =	vperm.xlane v3, v0;
	_ =	sdelay $0x1  }
0x78: {  	v3 =	vperm.xlane v3, v2;
	v4 =	vadd.s32 v1, v4;
	_ =	sdelay $0x1  }
0x79: {  	v3 =	vadd.s32 v1, v3;
	_ =	sdelay $0x1  }
0x7a: {  	s18 =	simm.s32 $0x7780  }
0x7b: {  	[tilespmem:s18], [sflag:$0x1] =	stream.indirect_vreg.gather [hbm4b:s3+s2], $0x80, v4, vm0, $0xb8;
	[tilespmem:$0x1A780] =	vst v63  }
0x7c: {  	s17 =	simm.s32 $0x7F80  }
0x7d: {  	[tilespmem:s17], [sflag:$0x1] =	stream.indirect_vreg.gather [hbm4b:s3+s2], $0x80, v3, vm0, $0xb8;
	[tilespmem:$0x1A780] =	vst v63  }
0x7e: {  	v3 =	vld [tilespmem:$0x60];
	_ =	sdelay $0x4  }
0x7f: {  	v54 =	vshll.u32 v3, $0x1  }
0x80: {  	v3 =	vand.u32 $0x7, v3;
	v4 =	vand.u32 $0xFFFFFFF0, v54  }
0x81: {  	v3 =	vor.u32 v3, v4  }
0x82: {  	v4 =	vperm.xlane v3, v0;
	_ =	sdelay $0x1  }
0x83: {  	v3 =	vperm.xlane v3, v2;
	v4 =	vadd.s32 v1, v4;
	_ =	sdelay $0x1  }
0x84: {  	v3 =	vadd.s32 v1, v3;
	_ =	sdelay $0x1  }
0x85: {  	s18 =	simm.s32 $0x8780  }
0x86: {  	[tilespmem:s18], [sflag:$0x1] =	stream.indirect_vreg.gather [hbm4b:s3+s2], $0x80, v4, vm0, $0xb8;
	[tilespmem:$0x1A780] =	vst v63  }
0x87: {  	s17 =	simm.s32 $0x8F80  }
0x88: {  	[tilespmem:s17], [sflag:$0x1] =	stream.indirect_vreg.gather [hbm4b:s3+s2], $0x80, v3, vm0, $0xb8;
	[tilespmem:$0x1A780] =	vst v63  }
0x89: {  	v3 =	vld [tilespmem:$0x70];
	_ =	sdelay $0x4  }
0x8a: {  	v55 =	vshll.u32 v3, $0x1  }
0x8b: {  	v3 =	vand.u32 $0x7, v3;
	v4 =	vand.u32 $0xFFFFFFF0, v55  }
0x8c: {  	v3 =	vor.u32 v3, v4  }
0x8d: {  	v4 =	vperm.xlane v3, v0;
	_ =	sdelay $0x1  }
0x8e: {  	v3 =	vperm.xlane v3, v2;
	v4 =	vadd.s32 v1, v4;
	_ =	sdelay $0x1  }
0x8f: {  	v3 =	vadd.s32 v1, v3;
	_ =	sdelay $0x1  }
0x90: {  	s18 =	simm.s32 $0x9780  }
0x91: {  	[tilespmem:s18], [sflag:$0x1] =	stream.indirect_vreg.gather [hbm4b:s3+s2], $0x80, v4, vm0, $0xb8;
	[tilespmem:$0x1A780] =	vst v63  }
0x92: {  	s17 =	simm.s32 $0x9F80  }
0x93: {  	[tilespmem:s17], [sflag:$0x1] =	stream.indirect_vreg.gather [hbm4b:s3+s2], $0x80, v3, vm0, $0xb8;
	[tilespmem:$0x1A780] =	vst v63  }
0x94: {  	v3 =	vld [tilespmem:$0x80];
	_ =	sdelay $0x4  }
0x95: {  	v56 =	vshll.u32 v3, $0x1  }
0x96: {  	v3 =	vand.u32 $0x7, v3;
	v4 =	vand.u32 $0xFFFFFFF0, v56  }
0x97: {  	v3 =	vor.u32 v3, v4  }
0x98: {  	v4 =	vperm.xlane v3, v0;
	_ =	sdelay $0x1  }
0x99: {  	v3 =	vperm.xlane v3, v2;
	v4 =	vadd.s32 v1, v4;
	_ =	sdelay $0x1  }
0x9a: {  	v3 =	vadd.s32 v1, v3;
	_ =	sdelay $0x2  }
0x9b: {  	[tilespmem:s28], [sflag:$0x2] =	stream.indirect_vreg.gather [hbm4b:s3+s2], $0x80, v4, vm0, $0xb8;
	[tilespmem:$0x1A780] =	vst v63  }
0x9c: {  	s18 =	simm.s32 $0xAF80  }
0x9d: {  	[tilespmem:s18], [sflag:$0x2] =	stream.indirect_vreg.gather [hbm4b:s3+s2], $0x80, v3, vm0, $0xb8;
	[tilespmem:$0x1A780] =	vst v63  }
0x9e: {  	v3 =	vld [tilespmem:$0x90];
	_ =	sdelay $0x4  }
0x9f: {  	v57 =	vshll.u32 v3, $0x1  }
0xa0: {  	v3 =	vand.u32 $0x7, v3;
	v4 =	vand.u32 $0xFFFFFFF0, v57  }
0xa1: {  	v3 =	vor.u32 v3, v4  }
0xa2: {  	v4 =	vperm.xlane v3, v0;
	_ =	sdelay $0x1  }
0xa3: {  	v3 =	vperm.xlane v3, v2;
	v4 =	vadd.s32 v1, v4;
	_ =	sdelay $0x1  }
0xa4: {  	v3 =	vadd.s32 v1, v3;
	_ =	sdelay $0x1  }
0xa5: {  	s17 =	simm.s32 $0xB780  }
0xa6: {  	[tilespmem:s17], [sflag:$0x2] =	stream.indirect_vreg.gather [hbm4b:s3+s2], $0x80, v4, vm0, $0xb8;
	[tilespmem:$0x1A780] =	vst v63  }
0xa7: {  	s18 =	simm.s32 $0xBF80  }
0xa8: {  	[tilespmem:s18], [sflag:$0x2] =	stream.indirect_vreg.gather [hbm4b:s3+s2], $0x80, v3, vm0, $0xb8;
	[tilespmem:$0x1A780] =	vst v63  }
0xa9: {  	v3 =	vld [tilespmem:$0xA0];
	_ =	sdelay $0x4  }
0xaa: {  	v58 =	vshll.u32 v3, $0x1  }
0xab: {  	v3 =	vand.u32 $0x7, v3;
	v4 =	vand.u32 $0xFFFFFFF0, v58  }
0xac: {  	v3 =	vor.u32 v3, v4  }
0xad: {  	v4 =	vperm.xlane v3, v0;
	_ =	sdelay $0x1  }
0xae: {  	v3 =	vperm.xlane v3, v2;
	v4 =	vadd.s32 v1, v4;
	_ =	sdelay $0x1  }
0xaf: {  	v3 =	vadd.s32 v1, v3;
	_ =	sdelay $0x1  }
0xb0: {  	s17 =	simm.s32 $0xC780  }
0xb1: {  	[tilespmem:s17], [sflag:$0x2] =	stream.indirect_vreg.gather [hbm4b:s3+s2], $0x80, v4, vm0, $0xb8;
	[tilespmem:$0x1A780] =	vst v63  }
0xb2: {  	s18 =	simm.s32 $0xCF80  }
0xb3: {  	[tilespmem:s18], [sflag:$0x2] =	stream.indirect_vreg.gather [hbm4b:s3+s2], $0x80, v3, vm0, $0xb8;
	[tilespmem:$0x1A780] =	vst v63  }
0xb4: {  	v3 =	vld [tilespmem:$0xB0];
	_ =	sdelay $0x4  }
0xb5: {  	v59 =	vshll.u32 v3, $0x1  }
0xb6: {  	v3 =	vand.u32 $0x7, v3;
	v4 =	vand.u32 $0xFFFFFFF0, v59  }
0xb7: {  	v3 =	vor.u32 v3, v4  }
0xb8: {  	v4 =	vperm.xlane v3, v0;
	_ =	sdelay $0x1  }
0xb9: {  	v3 =	vperm.xlane v3, v2;
	v4 =	vadd.s32 v1, v4;
	_ =	sdelay $0x1  }
0xba: {  	v3 =	vadd.s32 v1, v3;
	_ =	sdelay $0x1  }
0xbb: {  	s17 =	simm.s32 $0xD780  }
0xbc: {  	[tilespmem:s17], [sflag:$0x2] =	stream.indirect_vreg.gather [hbm4b:s3+s2], $0x80, v4, vm0, $0xb8;
	[tilespmem:$0x1A780] =	vst v63  }
0xbd: {  	s18 =	simm.s32 $0xDF80  }
0xbe: {  	[tilespmem:s18], [sflag:$0x2] =	stream.indirect_vreg.gather [hbm4b:s3+s2], $0x80, v3, vm0, $0xb8;
	[tilespmem:$0x1A780] =	vst v63  }
0xbf: {  	v3 =	vld [tilespmem:$0xC0];
	_ =	sdelay $0x4  }
0xc0: {  	v60 =	vshll.u32 v3, $0x1  }
0xc1: {  	v3 =	vand.u32 $0x7, v3;
	v4 =	vand.u32 $0xFFFFFFF0, v60  }
0xc2: {  	v3 =	vor.u32 v3, v4  }
0xc3: {  	v4 =	vperm.xlane v3, v0;
	_ =	sdelay $0x1  }
0xc4: {  	v3 =	vperm.xlane v3, v2;
	v4 =	vadd.s32 v1, v4;
	_ =	sdelay $0x1  }
0xc5: {  	v3 =	vadd.s32 v1, v3;
	_ =	sdelay $0x1  }
0xc6: {  	s17 =	simm.s32 $0xE780  }
0xc7: {  	[tilespmem:s17], [sflag:$0x2] =	stream.indirect_vreg.gather [hbm4b:s3+s2], $0x80, v4, vm0, $0xb8;
	[tilespmem:$0x1A780] =	vst v63  }
0xc8: {  	s18 =	simm.s32 $0xEF80  }
0xc9: {  	[tilespmem:s18], [sflag:$0x2] =	stream.indirect_vreg.gather [hbm4b:s3+s2], $0x80, v3, vm0, $0xb8;
	[tilespmem:$0x1A780] =	vst v63  }
0xca: {  	v3 =	vld [tilespmem:$0xD0];
	_ =	sdelay $0x4  }
0xcb: {  	v61 =	vshll.u32 v3, $0x1  }
0xcc: {  	v3 =	vand.u32 $0x7, v3;
	v4 =	vand.u32 $0xFFFFFFF0, v61  }
0xcd: {  	v3 =	vor.u32 v3, v4  }
0xce: {  	v4 =	vperm.xlane v3, v0;
	_ =	sdelay $0x1  }
0xcf: {  	v3 =	vperm.xlane v3, v2;
	v4 =	vadd.s32 v1, v4;
	_ =	sdelay $0x1  }
0xd0: {  	v3 =	vadd.s32 v1, v3;
	_ =	sdelay $0x1  }
0xd1: {  	s17 =	simm.s32 $0xF780  }
0xd2: {  	[tilespmem:s17], [sflag:$0x2] =	stream.indirect_vreg.gather [hbm4b:s3+s2], $0x80, v4, vm0, $0xb8;
	[tilespmem:$0x1A780] =	vst v63  }
0xd3: {  	s18 =	simm.s32 $0xFF80  }
0xd4: {  	[tilespmem:s18], [sflag:$0x2] =	stream.indirect_vreg.gather [hbm4b:s3+s2], $0x80, v3, vm0, $0xb8;
	[tilespmem:$0x1A780] =	vst v63  }
0xd5: {  	v3 =	vld [tilespmem:$0xE0];
	_ =	sdelay $0x4  }
0xd6: {  	v62 =	vshll.u32 v3, $0x1  }
0xd7: {  	v3 =	vand.u32 $0x7, v3;
	v4 =	vand.u32 $0xFFFFFFF0, v62  }
0xd8: {  	v3 =	vor.u32 v3, v4  }
0xd9: {  	v4 =	vperm.xlane v3, v0;
	_ =	sdelay $0x1  }
0xda: {  	v3 =	vperm.xlane v3, v2;
	v4 =	vadd.s32 v1, v4;
	_ =	sdelay $0x1  }
0xdb: {  	v3 =	vadd.s32 v1, v3;
	_ =	sdelay $0x1  }
0xdc: {  	s17 =	simm.s32 $0x10780  }
0xdd: {  	[tilespmem:s17], [sflag:$0x2] =	stream.indirect_vreg.gather [hbm4b:s3+s2], $0x80, v4, vm0, $0xb8;
	[tilespmem:$0x1A780] =	vst v63  }
0xde: {  	s18 =	simm.s32 $0x10F80  }
0xdf: {  	[tilespmem:s18], [sflag:$0x2] =	stream.indirect_vreg.gather [hbm4b:s3+s2], $0x80, v3, vm0, $0xb8;
	[tilespmem:$0x1A780] =	vst v63  }
0xe0: {  	v3 =	vld [tilespmem:$0xF0];
	_ =	sdelay $0x4  }
0xe1: {  	v63 =	vshll.u32 v3, $0x1  }
0xe2: {  	v3 =	vand.u32 $0x7, v3;
	v4 =	vand.u32 $0xFFFFFFF0, v63  }
0xe3: {  	v3 =	vor.u32 v3, v4  }
0xe4: {  	v4 =	vperm.xlane v3, v0;
	_ =	sdelay $0x1  }
0xe5: {  	v3 =	vperm.xlane v3, v2;
	v4 =	vadd.s32 v1, v4;
	_ =	sdelay $0x1  }
0xe6: {  	v3 =	vadd.s32 v1, v3;
	_ =	sdelay $0x1  }
.Ltmp2:
0xe7: {  	s17 =	simm.s32 $0x11780;
	(pc) =	sbr.rel .LBB2_2-.Ltmp2, $4  }
0xe8: {  	[tilespmem:s17], [sflag:$0x2] =	stream.indirect_vreg.gather [hbm4b:s3+s2], $0x80, v4, vm0, $0xb8;
	[tilespmem:$0x1A780] =	vst v63  }
0xe9: {  	s18 =	simm.s32 $0x11F80  }
0xea: {  	[tilespmem:s18], [sflag:$0x2] =	stream.indirect_vreg.gather [hbm4b:s3+s2], $0x80, v3, vm0, $0xb8;
	[tilespmem:$0x1A780] =	vst v63  }
0xeb: {  	s17 =	simm.s32 $0x140;
	s18 =	simm.s32 $0x0  }
.LBB2_6:
0xec: {  	s12 =	sadd.s32 s18, s9;
	s18 =	sadd.s32 $0x3000, s18  }
0xed: {  	p0 =	sne.s32 s18, $0x4E000  }
.Ltmp3:
0xee: {  	_ = 	snop;
	(pc) =	sbr.rel @!p0 .LBB2_7-.Ltmp3, $3  }
0xef: {  	_ =	sdelay $0x1  }
0xf0: {  	s17 =	sadd.s32 $0x180, s17  }
0xf1: {  	[hbm4b:s12+s2] =	stream.linear.scatter [tilespmem:s20], [sflag:$0x6], $0x8000, $0x38;
	[tilespmem:$0x1A780] =	vst v63  }
.LBB2_2:
0xf2: {  	_ =	swait.ge [sflag:s19], $0x8000  }
0xf3: {  	p0 =	seq.s32 s18, $0x0;
	[sflag:s19] =	ssyncset.done $0x0  }
0xf4: {  	s12 =	simm.s32 @!p0 $0x6;
	[sflag:s19] =	ssyncadd.s32 $0xFFFF8000  }
0xf5: {  	_ =	swait.ge @!p0 [sflag:s12], $0x8000  }
0xf6: {  	[sflag:s12] =	ssyncset.done @!p0 $0x0  }
0xf7: {  	[sflag:s12] =	ssyncadd.s32 @!p0 $0xFFFF8000  }
0xf8: {  	v3 =	vld [tilespmem:s17+$0xFFFFFFC0];
	_ =	sdelay $0x4  }
0xf9: {  	v4 =	vshll.u32 v3, $0x1  }
0xfa: {  	v3 =	vand.u32 $0x7, v3;
	v4 =	vand.u32 $0xFFFFFFF0, v4  }
0xfb: {  	v3 =	vor.u32 v3, v4  }
0xfc: {  	v4 =	vperm.xlane v3, v0;
	_ =	sdelay $0x1  }
0xfd: {  	v3 =	vperm.xlane v3, v2;
	v4 =	vadd.s32 v1, v4;
	_ =	sdelay $0x1  }
0xfe: {  	v3 =	vadd.s32 v1, v3;
	_ =	sdelay $0x2  }
0xff: {  	[tilespmem:s20], [sflag:$0x3] =	stream.indirect_vreg.gather [hbm4b:s3+s2], $0x80, v4, vm0, $0xb8;
	[tilespmem:$0x1A780] =	vst v63  }
0x100: {  	_ = 	snop  }
0x101: {  	[tilespmem:s21], [sflag:$0x3] =	stream.indirect_vreg.gather [hbm4b:s3+s2], $0x80, v3, vm0, $0xb8;
	[tilespmem:$0x1A780] =	vst v63  }
0x102: {  	v3 =	vld [tilespmem:s17+$0xFFFFFFD0];
	_ =	sdelay $0x4  }
0x103: {  	v57 =	vshll.u32 v3, $0x1  }
0x104: {  	v3 =	vand.u32 $0x7, v3;
	v4 =	vand.u32 $0xFFFFFFF0, v57  }
0x105: {  	v3 =	vor.u32 v3, v4  }
0x106: {  	v4 =	vperm.xlane v3, v0;
	_ =	sdelay $0x1  }
0x107: {  	v3 =	vperm.xlane v3, v2;
	v4 =	vadd.s32 v1, v4;
	_ =	sdelay $0x1  }
0x108: {  	v3 =	vadd.s32 v1, v3;
	_ =	sdelay $0x2  }
0x109: {  	[tilespmem:s22], [sflag:$0x3] =	stream.indirect_vreg.gather [hbm4b:s3+s2], $0x80, v4, vm0, $0xb8;
	[tilespmem:$0x1A780] =	vst v63  }
0x10a: {  	_ = 	snop  }
0x10b: {  	[tilespmem:s23], [sflag:$0x3] =	stream.indirect_vreg.gather [hbm4b:s3+s2], $0x80, v3, vm0, $0xb8;
	[tilespmem:$0x1A780] =	vst v63  }
0x10c: {  	v3 =	vld [tilespmem:s17+$0xFFFFFFE0];
	_ =	sdelay $0x4  }
0x10d: {  	v58 =	vshll.u32 v3, $0x1  }
0x10e: {  	v3 =	vand.u32 $0x7, v3;
	v4 =	vand.u32 $0xFFFFFFF0, v58  }
0x10f: {  	v3 =	vor.u32 v3, v4  }
0x110: {  	v4 =	vperm.xlane v3, v0;
	_ =	sdelay $0x1  }
0x111: {  	v3 =	vperm.xlane v3, v2;
	v4 =	vadd.s32 v1, v4;
	_ =	sdelay $0x1  }
0x112: {  	v3 =	vadd.s32 v1, v3;
	_ =	sdelay $0x2  }
0x113: {  	[tilespmem:s24], [sflag:$0x3] =	stream.indirect_vreg.gather [hbm4b:s3+s2], $0x80, v4, vm0, $0xb8;
	[tilespmem:$0x1A780] =	vst v63  }
0x114: {  	_ = 	snop  }
0x115: {  	[tilespmem:s25], [sflag:$0x3] =	stream.indirect_vreg.gather [hbm4b:s3+s2], $0x80, v3, vm0, $0xb8;
	[tilespmem:$0x1A780] =	vst v63  }
0x116: {  	v3 =	vld [tilespmem:s17+$0xFFFFFFF0];
	_ =	sdelay $0x4  }
0x117: {  	v59 =	vshll.u32 v3, $0x1  }
0x118: {  	v3 =	vand.u32 $0x7, v3;
	v4 =	vand.u32 $0xFFFFFFF0, v59  }
0x119: {  	v3 =	vor.u32 v3, v4  }
0x11a: {  	v4 =	vperm.xlane v3, v0;
	_ =	sdelay $0x1  }
0x11b: {  	v3 =	vperm.xlane v3, v2;
	v4 =	vadd.s32 v1, v4;
	_ =	sdelay $0x1  }
0x11c: {  	v3 =	vadd.s32 v1, v3;
	_ =	sdelay $0x2  }
0x11d: {  	[tilespmem:s26], [sflag:$0x3] =	stream.indirect_vreg.gather [hbm4b:s3+s2], $0x80, v4, vm0, $0xb8;
	[tilespmem:$0x1A780] =	vst v63  }
0x11e: {  	_ = 	snop  }
0x11f: {  	[tilespmem:s29], [sflag:$0x3] =	stream.indirect_vreg.gather [hbm4b:s3+s2], $0x80, v3, vm0, $0xb8;
	[tilespmem:$0x1A780] =	vst v63  }
0x120: {  	v3 =	vld [tilespmem:s17+$0x0];
	_ =	sdelay $0x4  }
0x121: {  	v60 =	vshll.u32 v3, $0x1  }
0x122: {  	v3 =	vand.u32 $0x7, v3;
	v4 =	vand.u32 $0xFFFFFFF0, v60  }
0x123: {  	v3 =	vor.u32 v3, v4  }
0x124: {  	v4 =	vperm.xlane v3, v0;
	_ =	sdelay $0x1  }
0x125: {  	v3 =	vperm.xlane v3, v2;
	v4 =	vadd.s32 v1, v4;
	_ =	sdelay $0x1  }
0x126: {  	v3 =	vadd.s32 v1, v3;
	_ =	sdelay $0x2  }
0x127: {  	[tilespmem:s30], [sflag:$0x3] =	stream.indirect_vreg.gather [hbm4b:s3+s2], $0x80, v4, vm0, $0xb8;
	[tilespmem:$0x1A780] =	vst v63  }
0x128: {  	_ = 	snop  }
0x129: {  	[tilespmem:s31], [sflag:$0x3] =	stream.indirect_vreg.gather [hbm4b:s3+s2], $0x80, v3, vm0, $0xb8;
	[tilespmem:$0x1A780] =	vst v63  }
0x12a: {  	v3 =	vld [tilespmem:s17+$0x10];
	_ =	sdelay $0x4  }
0x12b: {  	v61 =	vshll.u32 v3, $0x1  }
0x12c: {  	v3 =	vand.u32 $0x7, v3;
	v4 =	vand.u32 $0xFFFFFFF0, v61  }
0x12d: {  	v3 =	vor.u32 v3, v4  }
0x12e: {  	v4 =	vperm.xlane v3, v0;
	_ =	sdelay $0x1  }
0x12f: {  	v3 =	vperm.xlane v3, v2;
	v4 =	vadd.s32 v1, v4;
	_ =	sdelay $0x1  }
0x130: {  	v3 =	vadd.s32 v1, v3;
	_ =	sdelay $0x2  }
0x131: {  	[tilespmem:s0], [sflag:$0x3] =	stream.indirect_vreg.gather [hbm4b:s3+s2], $0x80, v4, vm0, $0xb8;
	[tilespmem:$0x1A780] =	vst v63  }
0x132: {  	_ = 	snop  }
0x133: {  	[tilespmem:s1], [sflag:$0x3] =	stream.indirect_vreg.gather [hbm4b:s3+s2], $0x80, v3, vm0, $0xb8;
	[tilespmem:$0x1A780] =	vst v63  }
0x134: {  	v3 =	vld [tilespmem:s17+$0x20];
	_ =	sdelay $0x4  }
0x135: {  	v62 =	vshll.u32 v3, $0x1  }
0x136: {  	v3 =	vand.u32 $0x7, v3;
	v4 =	vand.u32 $0xFFFFFFF0, v62  }
0x137: {  	v3 =	vor.u32 v3, v4  }
0x138: {  	v4 =	vperm.xlane v3, v0;
	_ =	sdelay $0x1  }
0x139: {  	v3 =	vperm.xlane v3, v2;
	v4 =	vadd.s32 v1, v4;
	_ =	sdelay $0x1  }
0x13a: {  	v3 =	vadd.s32 v1, v3;
	_ =	sdelay $0x2  }
0x13b: {  	[tilespmem:s4], [sflag:$0x3] =	stream.indirect_vreg.gather [hbm4b:s3+s2], $0x80, v4, vm0, $0xb8;
	[tilespmem:$0x1A780] =	vst v63  }
0x13c: {  	_ = 	snop  }
0x13d: {  	[tilespmem:s5], [sflag:$0x3] =	stream.indirect_vreg.gather [hbm4b:s3+s2], $0x80, v3, vm0, $0xb8;
	[tilespmem:$0x1A780] =	vst v63  }
0x13e: {  	v3 =	vld [tilespmem:s17+$0x30];
	_ =	sdelay $0x4  }
0x13f: {  	v63 =	vshll.u32 v3, $0x1  }
0x140: {  	v3 =	vand.u32 $0x7, v3;
	v4 =	vand.u32 $0xFFFFFFF0, v63  }
0x141: {  	v3 =	vor.u32 v3, v4  }
0x142: {  	v4 =	vperm.xlane v3, v0;
	_ =	sdelay $0x1  }
0x143: {  	v3 =	vperm.xlane v3, v2;
	v4 =	vadd.s32 v1, v4;
	_ =	sdelay $0x1  }
0x144: {  	v3 =	vadd.s32 v1, v3;
	_ =	sdelay $0x2  }
0x145: {  	[tilespmem:s6], [sflag:$0x3] =	stream.indirect_vreg.gather [hbm4b:s3+s2], $0x80, v4, vm0, $0xb8;
	[tilespmem:$0x1A780] =	vst v63  }
0x146: {  	p0 =	seq.s32 s18, $0x4B000  }
0x147: {  	[tilespmem:s10], [sflag:$0x3] =	stream.indirect_vreg.gather [hbm4b:s3+s2], $0x80, v3, vm0, $0xb8;
	[tilespmem:$0x1A780] =	vst v63  }
.Ltmp4:
0x148: {  	s12 =	sadd.s32 s18, s7;
	(pc) =	sbr.rel @p0 .LBB2_4-.Ltmp4, $4  }
0x149: {  	[hbm4b:s12+s2] =	stream.linear.scatter [tilespmem:s11], [sflag:$0x4], $0x8000, $0x38;
	[tilespmem:$0x1A780] =	vst v63  }
0x14a: {  	_ =	swait.ge [sflag:s13], $0x8000  }
0x14b: {  	[sflag:s13] =	ssyncset.done $0x0  }
0x14c: {  	[sflag:s13] =	ssyncadd.s32 $0xFFFF8000  }
0x14d: {  	_ =	swait.ge [sflag:s15], $0x8000  }
0x14e: {  	[sflag:s15] =	ssyncset.done $0x0  }
0x14f: {  	[sflag:s15] =	ssyncadd.s32 $0xFFFF8000  }
0x150: {  	v3 =	vld [tilespmem:s17+$0x40];
	_ =	sdelay $0x4  }
0x151: {  	v4 =	vshll.u32 v3, $0x1  }
0x152: {  	v3 =	vand.u32 $0x7, v3;
	v4 =	vand.u32 $0xFFFFFFF0, v4  }
0x153: {  	v3 =	vor.u32 v3, v4  }
0x154: {  	v4 =	vperm.xlane v3, v0;
	_ =	sdelay $0x1  }
0x155: {  	v3 =	vperm.xlane v3, v2;
	v4 =	vadd.s32 v1, v4;
	_ =	sdelay $0x1  }
0x156: {  	v3 =	vadd.s32 v1, v3;
	_ =	sdelay $0x2  }
0x157: {  	[tilespmem:s11], [sflag:$0x1] =	stream.indirect_vreg.gather [hbm4b:s3+s2], $0x80, v4, vm0, $0xb8;
	[tilespmem:$0x1A780] =	vst v63  }
0x158: {  	s12 =	simm.s32 $0x2F80  }
0x159: {  	[tilespmem:s12], [sflag:$0x1] =	stream.indirect_vreg.gather [hbm4b:s3+s2], $0x80, v3, vm0, $0xb8;
	[tilespmem:$0x1A780] =	vst v63  }
0x15a: {  	v3 =	vld [tilespmem:s17+$0x50];
	_ =	sdelay $0x4  }
0x15b: {  	v57 =	vshll.u32 v3, $0x1  }
0x15c: {  	v3 =	vand.u32 $0x7, v3;
	v4 =	vand.u32 $0xFFFFFFF0, v57  }
0x15d: {  	v3 =	vor.u32 v3, v4  }
0x15e: {  	v4 =	vperm.xlane v3, v0;
	_ =	sdelay $0x1  }
0x15f: {  	v3 =	vperm.xlane v3, v2;
	v4 =	vadd.s32 v1, v4;
	_ =	sdelay $0x1  }
0x160: {  	v3 =	vadd.s32 v1, v3;
	_ =	sdelay $0x1  }
0x161: {  	s12 =	simm.s32 $0x3780  }
0x162: {  	[tilespmem:s12], [sflag:$0x1] =	stream.indirect_vreg.gather [hbm4b:s3+s2], $0x80, v4, vm0, $0xb8;
	[tilespmem:$0x1A780] =	vst v63  }
0x163: {  	s12 =	simm.s32 $0x3F80  }
0x164: {  	[tilespmem:s12], [sflag:$0x1] =	stream.indirect_vreg.gather [hbm4b:s3+s2], $0x80, v3, vm0, $0xb8;
	[tilespmem:$0x1A780] =	vst v63  }
0x165: {  	v3 =	vld [tilespmem:s17+$0x60];
	_ =	sdelay $0x4  }
0x166: {  	v58 =	vshll.u32 v3, $0x1  }
0x167: {  	v3 =	vand.u32 $0x7, v3;
	v4 =	vand.u32 $0xFFFFFFF0, v58  }
0x168: {  	v3 =	vor.u32 v3, v4  }
0x169: {  	v4 =	vperm.xlane v3, v0;
	_ =	sdelay $0x1  }
0x16a: {  	v3 =	vperm.xlane v3, v2;
	v4 =	vadd.s32 v1, v4;
	_ =	sdelay $0x1  }
0x16b: {  	v3 =	vadd.s32 v1, v3;
	_ =	sdelay $0x1  }
0x16c: {  	s12 =	simm.s32 $0x4780  }
0x16d: {  	[tilespmem:s12], [sflag:$0x1] =	stream.indirect_vreg.gather [hbm4b:s3+s2], $0x80, v4, vm0, $0xb8;
	[tilespmem:$0x1A780] =	vst v63  }
0x16e: {  	s12 =	simm.s32 $0x4F80  }
0x16f: {  	[tilespmem:s12], [sflag:$0x1] =	stream.indirect_vreg.gather [hbm4b:s3+s2], $0x80, v3, vm0, $0xb8;
	[tilespmem:$0x1A780] =	vst v63  }
0x170: {  	v3 =	vld [tilespmem:s17+$0x70];
	_ =	sdelay $0x4  }
0x171: {  	v59 =	vshll.u32 v3, $0x1  }
0x172: {  	v3 =	vand.u32 $0x7, v3;
	v4 =	vand.u32 $0xFFFFFFF0, v59  }
0x173: {  	v3 =	vor.u32 v3, v4  }
0x174: {  	v4 =	vperm.xlane v3, v0;
	_ =	sdelay $0x1  }
0x175: {  	v3 =	vperm.xlane v3, v2;
	v4 =	vadd.s32 v1, v4;
	_ =	sdelay $0x1  }
0x176: {  	v3 =	vadd.s32 v1, v3;
	_ =	sdelay $0x1  }
0x177: {  	s12 =	simm.s32 $0x5780  }
0x178: {  	[tilespmem:s12], [sflag:$0x1] =	stream.indirect_vreg.gather [hbm4b:s3+s2], $0x80, v4, vm0, $0xb8;
	[tilespmem:$0x1A780] =	vst v63  }
0x179: {  	s12 =	simm.s32 $0x5F80  }
0x17a: {  	[tilespmem:s12], [sflag:$0x1] =	stream.indirect_vreg.gather [hbm4b:s3+s2], $0x80, v3, vm0, $0xb8;
	[tilespmem:$0x1A780] =	vst v63  }
0x17b: {  	v3 =	vld [tilespmem:s17+$0x80];
	_ =	sdelay $0x4  }
0x17c: {  	v60 =	vshll.u32 v3, $0x1  }
0x17d: {  	v3 =	vand.u32 $0x7, v3;
	v4 =	vand.u32 $0xFFFFFFF0, v60  }
0x17e: {  	v3 =	vor.u32 v3, v4  }
0x17f: {  	v4 =	vperm.xlane v3, v0;
	_ =	sdelay $0x1  }
0x180: {  	v3 =	vperm.xlane v3, v2;
	v4 =	vadd.s32 v1, v4;
	_ =	sdelay $0x1  }
0x181: {  	v3 =	vadd.s32 v1, v3;
	_ =	sdelay $0x1  }
0x182: {  	s12 =	simm.s32 $0x6780  }
0x183: {  	[tilespmem:s12], [sflag:$0x1] =	stream.indirect_vreg.gather [hbm4b:s3+s2], $0x80, v4, vm0, $0xb8;
	[tilespmem:$0x1A780] =	vst v63  }
0x184: {  	s12 =	simm.s32 $0x6F80  }
0x185: {  	[tilespmem:s12], [sflag:$0x1] =	stream.indirect_vreg.gather [hbm4b:s3+s2], $0x80, v3, vm0, $0xb8;
	[tilespmem:$0x1A780] =	vst v63  }
0x186: {  	v3 =	vld [tilespmem:s17+$0x90];
	_ =	sdelay $0x4  }
0x187: {  	v61 =	vshll.u32 v3, $0x1  }
0x188: {  	v3 =	vand.u32 $0x7, v3;
	v4 =	vand.u32 $0xFFFFFFF0, v61  }
0x189: {  	v3 =	vor.u32 v3, v4  }
0x18a: {  	v4 =	vperm.xlane v3, v0;
	_ =	sdelay $0x1  }
0x18b: {  	v3 =	vperm.xlane v3, v2;
	v4 =	vadd.s32 v1, v4;
	_ =	sdelay $0x1  }
0x18c: {  	v3 =	vadd.s32 v1, v3;
	_ =	sdelay $0x1  }
0x18d: {  	s12 =	simm.s32 $0x7780  }
0x18e: {  	[tilespmem:s12], [sflag:$0x1] =	stream.indirect_vreg.gather [hbm4b:s3+s2], $0x80, v4, vm0, $0xb8;
	[tilespmem:$0x1A780] =	vst v63  }
0x18f: {  	s12 =	simm.s32 $0x7F80  }
0x190: {  	[tilespmem:s12], [sflag:$0x1] =	stream.indirect_vreg.gather [hbm4b:s3+s2], $0x80, v3, vm0, $0xb8;
	[tilespmem:$0x1A780] =	vst v63  }
0x191: {  	v3 =	vld [tilespmem:s17+$0xA0];
	_ =	sdelay $0x4  }
0x192: {  	v62 =	vshll.u32 v3, $0x1  }
0x193: {  	v3 =	vand.u32 $0x7, v3;
	v4 =	vand.u32 $0xFFFFFFF0, v62  }
0x194: {  	v3 =	vor.u32 v3, v4  }
0x195: {  	v4 =	vperm.xlane v3, v0;
	_ =	sdelay $0x1  }
0x196: {  	v3 =	vperm.xlane v3, v2;
	v4 =	vadd.s32 v1, v4;
	_ =	sdelay $0x1  }
0x197: {  	v3 =	vadd.s32 v1, v3;
	_ =	sdelay $0x1  }
0x198: {  	s12 =	simm.s32 $0x8780  }
0x199: {  	[tilespmem:s12], [sflag:$0x1] =	stream.indirect_vreg.gather [hbm4b:s3+s2], $0x80, v4, vm0, $0xb8;
	[tilespmem:$0x1A780] =	vst v63  }
0x19a: {  	s12 =	simm.s32 $0x8F80  }
0x19b: {  	[tilespmem:s12], [sflag:$0x1] =	stream.indirect_vreg.gather [hbm4b:s3+s2], $0x80, v3, vm0, $0xb8;
	[tilespmem:$0x1A780] =	vst v63  }
0x19c: {  	v3 =	vld [tilespmem:s17+$0xB0];
	_ =	sdelay $0x4  }
0x19d: {  	v63 =	vshll.u32 v3, $0x1  }
0x19e: {  	v3 =	vand.u32 $0x7, v3;
	v4 =	vand.u32 $0xFFFFFFF0, v63  }
0x19f: {  	v3 =	vor.u32 v3, v4  }
0x1a0: {  	v4 =	vperm.xlane v3, v0;
	_ =	sdelay $0x1  }
0x1a1: {  	v3 =	vperm.xlane v3, v2;
	v4 =	vadd.s32 v1, v4;
	_ =	sdelay $0x1  }
0x1a2: {  	v3 =	vadd.s32 v1, v3;
	_ =	sdelay $0x1  }
0x1a3: {  	s12 =	simm.s32 $0x9780  }
0x1a4: {  	[tilespmem:s12], [sflag:$0x1] =	stream.indirect_vreg.gather [hbm4b:s3+s2], $0x80, v4, vm0, $0xb8;
	[tilespmem:$0x1A780] =	vst v63  }
0x1a5: {  	s12 =	simm.s32 $0x9F80  }
0x1a6: {  	[tilespmem:s12], [sflag:$0x1] =	stream.indirect_vreg.gather [hbm4b:s3+s2], $0x80, v3, vm0, $0xb8;
	[tilespmem:$0x1A780] =	vst v63  }
.LBB2_4:
.Ltmp5:
0x1a7: {  	s12 =	sadd.s32 s18, s8;
	(pc) =	sbr.rel @p0 .LBB2_6-.Ltmp5, $4  }
0x1a8: {  	[hbm4b:s12+s2] =	stream.linear.scatter [tilespmem:s28], [sflag:$0x5], $0x8000, $0x38;
	[tilespmem:$0x1A780] =	vst v63  }
0x1a9: {  	_ =	swait.ge [sflag:s14], $0x8000  }
0x1aa: {  	[sflag:s14] =	ssyncset.done $0x0  }
0x1ab: {  	[sflag:s14] =	ssyncadd.s32 $0xFFFF8000  }
0x1ac: {  	_ =	swait.ge [sflag:s16], $0x8000  }
0x1ad: {  	[sflag:s16] =	ssyncset.done $0x0  }
0x1ae: {  	[sflag:s16] =	ssyncadd.s32 $0xFFFF8000  }
0x1af: {  	v3 =	vld [tilespmem:s17+$0xC0];
	_ =	sdelay $0x4  }
0x1b0: {  	v4 =	vshll.u32 v3, $0x1  }
0x1b1: {  	v3 =	vand.u32 $0x7, v3;
	v4 =	vand.u32 $0xFFFFFFF0, v4  }
0x1b2: {  	v3 =	vor.u32 v3, v4  }
0x1b3: {  	v4 =	vperm.xlane v3, v0;
	_ =	sdelay $0x1  }
0x1b4: {  	v3 =	vperm.xlane v3, v2;
	v4 =	vadd.s32 v1, v4;
	_ =	sdelay $0x1  }
0x1b5: {  	v3 =	vadd.s32 v1, v3;
	_ =	sdelay $0x2  }
0x1b6: {  	[tilespmem:s28], [sflag:$0x2] =	stream.indirect_vreg.gather [hbm4b:s3+s2], $0x80, v4, vm0, $0xb8;
	[tilespmem:$0x1A780] =	vst v63  }
0x1b7: {  	s12 =	simm.s32 $0xAF80  }
0x1b8: {  	[tilespmem:s12], [sflag:$0x2] =	stream.indirect_vreg.gather [hbm4b:s3+s2], $0x80, v3, vm0, $0xb8;
	[tilespmem:$0x1A780] =	vst v63  }
0x1b9: {  	v3 =	vld [tilespmem:s17+$0xD0];
	_ =	sdelay $0x4  }
0x1ba: {  	v57 =	vshll.u32 v3, $0x1  }
0x1bb: {  	v3 =	vand.u32 $0x7, v3;
	v4 =	vand.u32 $0xFFFFFFF0, v57  }
0x1bc: {  	v3 =	vor.u32 v3, v4  }
0x1bd: {  	v4 =	vperm.xlane v3, v0;
	_ =	sdelay $0x1  }
0x1be: {  	v3 =	vperm.xlane v3, v2;
	v4 =	vadd.s32 v1, v4;
	_ =	sdelay $0x1  }
0x1bf: {  	v3 =	vadd.s32 v1, v3;
	_ =	sdelay $0x1  }
0x1c0: {  	s12 =	simm.s32 $0xB780  }
0x1c1: {  	[tilespmem:s12], [sflag:$0x2] =	stream.indirect_vreg.gather [hbm4b:s3+s2], $0x80, v4, vm0, $0xb8;
	[tilespmem:$0x1A780] =	vst v63  }
0x1c2: {  	s12 =	simm.s32 $0xBF80  }
0x1c3: {  	[tilespmem:s12], [sflag:$0x2] =	stream.indirect_vreg.gather [hbm4b:s3+s2], $0x80, v3, vm0, $0xb8;
	[tilespmem:$0x1A780] =	vst v63  }
0x1c4: {  	v3 =	vld [tilespmem:s17+$0xE0];
	_ =	sdelay $0x4  }
0x1c5: {  	v58 =	vshll.u32 v3, $0x1  }
0x1c6: {  	v3 =	vand.u32 $0x7, v3;
	v4 =	vand.u32 $0xFFFFFFF0, v58  }
0x1c7: {  	v3 =	vor.u32 v3, v4  }
0x1c8: {  	v4 =	vperm.xlane v3, v0;
	_ =	sdelay $0x1  }
0x1c9: {  	v3 =	vperm.xlane v3, v2;
	v4 =	vadd.s32 v1, v4;
	_ =	sdelay $0x1  }
0x1ca: {  	v3 =	vadd.s32 v1, v3;
	_ =	sdelay $0x1  }
0x1cb: {  	s12 =	simm.s32 $0xC780  }
0x1cc: {  	[tilespmem:s12], [sflag:$0x2] =	stream.indirect_vreg.gather [hbm4b:s3+s2], $0x80, v4, vm0, $0xb8;
	[tilespmem:$0x1A780] =	vst v63  }
0x1cd: {  	s12 =	simm.s32 $0xCF80  }
0x1ce: {  	[tilespmem:s12], [sflag:$0x2] =	stream.indirect_vreg.gather [hbm4b:s3+s2], $0x80, v3, vm0, $0xb8;
	[tilespmem:$0x1A780] =	vst v63  }
0x1cf: {  	v3 =	vld [tilespmem:s17+$0xF0];
	_ =	sdelay $0x4  }
0x1d0: {  	v59 =	vshll.u32 v3, $0x1  }
0x1d1: {  	v3 =	vand.u32 $0x7, v3;
	v4 =	vand.u32 $0xFFFFFFF0, v59  }
0x1d2: {  	v3 =	vor.u32 v3, v4  }
0x1d3: {  	v4 =	vperm.xlane v3, v0;
	_ =	sdelay $0x1  }
0x1d4: {  	v3 =	vperm.xlane v3, v2;
	v4 =	vadd.s32 v1, v4;
	_ =	sdelay $0x1  }
0x1d5: {  	v3 =	vadd.s32 v1, v3;
	_ =	sdelay $0x1  }
0x1d6: {  	s12 =	simm.s32 $0xD780  }
0x1d7: {  	[tilespmem:s12], [sflag:$0x2] =	stream.indirect_vreg.gather [hbm4b:s3+s2], $0x80, v4, vm0, $0xb8;
	[tilespmem:$0x1A780] =	vst v63  }
0x1d8: {  	s12 =	simm.s32 $0xDF80  }
0x1d9: {  	[tilespmem:s12], [sflag:$0x2] =	stream.indirect_vreg.gather [hbm4b:s3+s2], $0x80, v3, vm0, $0xb8;
	[tilespmem:$0x1A780] =	vst v63  }
0x1da: {  	v3 =	vld [tilespmem:s17+$0x100];
	_ =	sdelay $0x4  }
0x1db: {  	v60 =	vshll.u32 v3, $0x1  }
0x1dc: {  	v3 =	vand.u32 $0x7, v3;
	v4 =	vand.u32 $0xFFFFFFF0, v60  }
0x1dd: {  	v3 =	vor.u32 v3, v4  }
0x1de: {  	v4 =	vperm.xlane v3, v0;
	_ =	sdelay $0x1  }
0x1df: {  	v3 =	vperm.xlane v3, v2;
	v4 =	vadd.s32 v1, v4;
	_ =	sdelay $0x1  }
0x1e0: {  	v3 =	vadd.s32 v1, v3;
	_ =	sdelay $0x1  }
0x1e1: {  	s12 =	simm.s32 $0xE780  }
0x1e2: {  	[tilespmem:s12], [sflag:$0x2] =	stream.indirect_vreg.gather [hbm4b:s3+s2], $0x80, v4, vm0, $0xb8;
	[tilespmem:$0x1A780] =	vst v63  }
0x1e3: {  	s12 =	simm.s32 $0xEF80  }
0x1e4: {  	[tilespmem:s12], [sflag:$0x2] =	stream.indirect_vreg.gather [hbm4b:s3+s2], $0x80, v3, vm0, $0xb8;
	[tilespmem:$0x1A780] =	vst v63  }
0x1e5: {  	v3 =	vld [tilespmem:s17+$0x110];
	_ =	sdelay $0x4  }
0x1e6: {  	v61 =	vshll.u32 v3, $0x1  }
0x1e7: {  	v3 =	vand.u32 $0x7, v3;
	v4 =	vand.u32 $0xFFFFFFF0, v61  }
0x1e8: {  	v3 =	vor.u32 v3, v4  }
0x1e9: {  	v4 =	vperm.xlane v3, v0;
	_ =	sdelay $0x1  }
0x1ea: {  	v3 =	vperm.xlane v3, v2;
	v4 =	vadd.s32 v1, v4;
	_ =	sdelay $0x1  }
0x1eb: {  	v3 =	vadd.s32 v1, v3;
	_ =	sdelay $0x1  }
0x1ec: {  	s12 =	simm.s32 $0xF780  }
0x1ed: {  	[tilespmem:s12], [sflag:$0x2] =	stream.indirect_vreg.gather [hbm4b:s3+s2], $0x80, v4, vm0, $0xb8;
	[tilespmem:$0x1A780] =	vst v63  }
0x1ee: {  	s12 =	simm.s32 $0xFF80  }
0x1ef: {  	[tilespmem:s12], [sflag:$0x2] =	stream.indirect_vreg.gather [hbm4b:s3+s2], $0x80, v3, vm0, $0xb8;
	[tilespmem:$0x1A780] =	vst v63  }
0x1f0: {  	v3 =	vld [tilespmem:s17+$0x120];
	_ =	sdelay $0x4  }
0x1f1: {  	v62 =	vshll.u32 v3, $0x1  }
0x1f2: {  	v3 =	vand.u32 $0x7, v3;
	v4 =	vand.u32 $0xFFFFFFF0, v62  }
0x1f3: {  	v3 =	vor.u32 v3, v4  }
0x1f4: {  	v4 =	vperm.xlane v3, v0;
	_ =	sdelay $0x1  }
0x1f5: {  	v3 =	vperm.xlane v3, v2;
	v4 =	vadd.s32 v1, v4;
	_ =	sdelay $0x1  }
0x1f6: {  	v3 =	vadd.s32 v1, v3;
	_ =	sdelay $0x1  }
0x1f7: {  	s12 =	simm.s32 $0x10780  }
0x1f8: {  	[tilespmem:s12], [sflag:$0x2] =	stream.indirect_vreg.gather [hbm4b:s3+s2], $0x80, v4, vm0, $0xb8;
	[tilespmem:$0x1A780] =	vst v63  }
0x1f9: {  	s12 =	simm.s32 $0x10F80  }
0x1fa: {  	[tilespmem:s12], [sflag:$0x2] =	stream.indirect_vreg.gather [hbm4b:s3+s2], $0x80, v3, vm0, $0xb8;
	[tilespmem:$0x1A780] =	vst v63  }
0x1fb: {  	v3 =	vld [tilespmem:s17+$0x130];
	_ =	sdelay $0x4  }
0x1fc: {  	v63 =	vshll.u32 v3, $0x1  }
0x1fd: {  	v3 =	vand.u32 $0x7, v3;
	v4 =	vand.u32 $0xFFFFFFF0, v63  }
0x1fe: {  	v3 =	vor.u32 v3, v4  }
0x1ff: {  	v4 =	vperm.xlane v3, v0;
	_ =	sdelay $0x1  }
0x200: {  	v3 =	vperm.xlane v3, v2;
	v4 =	vadd.s32 v1, v4;
	_ =	sdelay $0x1  }
0x201: {  	v3 =	vadd.s32 v1, v3  }
.Ltmp6:
0x202: {  	_ = 	snop;
	(pc) =	sbr.rel .LBB2_6-.Ltmp6, $4  }
0x203: {  	s12 =	simm.s32 $0x11780  }
0x204: {  	[tilespmem:s12], [sflag:$0x2] =	stream.indirect_vreg.gather [hbm4b:s3+s2], $0x80, v4, vm0, $0xb8;
	[tilespmem:$0x1A780] =	vst v63  }
0x205: {  	s12 =	simm.s32 $0x11F80  }
0x206: {  	[tilespmem:s12], [sflag:$0x2] =	stream.indirect_vreg.gather [hbm4b:s3+s2], $0x80, v3, vm0, $0xb8;
	[tilespmem:$0x1A780] =	vst v63  }
.LBB2_8:
0x207: {  	_ =	sfence.sel $0x180000  }
0x208: {  	[bflag:$0x0] =	sbarrier.arrive $0xFFFF  }
0x209: {  	_ =	strace $0x90000047  }
0x20a: {  	s0 =	stileid.u32;
	[bflag:$0x2] =	sbarrier.arrive $0xFFFF  }
0x20b: {  	p0 =	sne.s32 s0, $0x0;
	s0 =	rddreg [dreg:$0x2]  }
0x20c: {  	s0 =	sadd.s32 @!p0 $0x100000, s0  }
0x20d: {  	[sflag:s0] =	ssyncadd.tile.s32 @!p0 $0x1;
	_ =	shalt  }
.Lfunc_end2:
_tile_overlayer_lowered:
.L_overlay_start_2:
0x20e: {  	(tag) =	ssettag $0x2  }
0x20f: {  	s0 =	rddreg [dreg:$0x0];
	s2 =	stileid.u32  }
0x210: {  	s1 =	rddreg [dreg:$0x1];
	p0 =	sne.s32 s2, $0x0  }
0x211: {  	s3 =	rddreg [dreg:$0x2];
	[bflag:$0x3] =	sbarrier.arrive $0xFFFF;
	s2 =	simm.s32 @!p0 $0x1C07  }
0x212: {  	[timem:s3], [sflag:s2] =	dma.local @!p0 [hbm:s0], s1  }
0x213: {  	s0 =	simm.s32 @!p0 $0x7  }
0x214: {  	_ =	swait.ge @!p0 [sflag:s0], s1  }
0x215: {  	s1 =	ssub.s32 @!p0 $0x0, s1;
	[sflag:s0] =	ssyncset.done @!p0 $0x0  }
0x216: {  	[sflag:s0] =	ssyncadd.s32 @!p0 s1  }
0x217: {  	[bflag:$0x3] =	sbarrier.arrive $0xFFFF  }
0x218: {  	_ =	shalt  }

</sc_bundles>
